<compile_context>
chip_gen: v7x
topology: tpu7x:2x2x1
jax: 0.10.2.dev20260603
libtpu: 0.0.44.dev20260713+nightly
codegen_flags: <defaults>
</compile_context>

<pallas_src>
import functools

import jax
import jax.numpy as jnp
from jax import lax
from jax.experimental import pallas as pl
from jax.experimental.pallas import tpu as pltpu
from jax.experimental.pallas import tpu_sc as plsc


def _sc_gather(table, idx):
    B = idx.shape[0]
    _, D = table.shape
    info = plsc.get_sparse_core_info()
    nw = info.num_cores * info.num_subcores
    b_per_w = B // nw
    mesh = plsc.VectorSubcoreMesh(core_axis_name="c", subcore_axis_name="s")

    @functools.partial(
        pl.kernel,
        mesh=mesh,
        out_type=jax.ShapeDtypeStruct((B, D), jnp.float32),
        scratch_types=[
            pltpu.VMEM((b_per_w,), jnp.int32),
            pltpu.VMEM((b_per_w, D), jnp.float32),
            pltpu.SemaphoreType.DMA,
        ],
        compiler_params=pltpu.CompilerParams(use_tc_tiling_on_sc=False),
    )
    def gather_kernel(table_hbm, idx_hbm, out_hbm, idx_v, rows_v, sem):
        wid = lax.axis_index("s") * info.num_cores + lax.axis_index("c")
        base = wid * b_per_w
        pltpu.sync_copy(idx_hbm.at[pl.ds(base, b_per_w)], idx_v)
        pltpu.async_copy(table_hbm.at[idx_v], rows_v, sem).wait()
        pltpu.sync_copy(rows_v, out_hbm.at[pl.ds(base, b_per_w)])

    return gather_kernel(table, idx)


_TILE = 2048


def _matmul_tile(emb_ref, w_ref):
    return lax.dot_general(
        emb_ref[:], w_ref[:], (((1,), (1,)), ((), ())),
        preferred_element_type=jnp.float32)


def _stats_body(nt, V, emb_ref, w_ref, norm_ref, m_ref, s_ref):
    t = pl.program_id(0)

    @pl.when(t == 0)
    def _init():
        m_ref[:] = jnp.full_like(m_ref, -jnp.inf)
        s_ref[:] = jnp.zeros_like(s_ref)

    logits = _matmul_tile(emb_ref, w_ref)

    def _update(lm):
        tile_max = jnp.max(lm, axis=1, keepdims=True)
        m_old = m_ref[:]
        m_new = jnp.maximum(m_old, tile_max)
        s_ref[:] = s_ref[:] * jnp.exp(m_old - m_new) + jnp.sum(
            jnp.exp(lm - m_new), axis=1, keepdims=True)
        m_ref[:] = m_new

    @pl.when(t < nt - 1)
    def _full_tile():
        _update(logits)

    @pl.when(t == nt - 1)
    def _tail_tile():
        col = t * _TILE + lax.broadcasted_iota(jnp.int32, logits.shape, 1)
        _update(jnp.where(col < V, logits, -jnp.inf))
        norm_ref[:] = m_ref[:] + jnp.log(s_ref[:])


_NBUF = 16
_TILE_O = 256


def _out_ring_body(nsteps, emb_ref, w_ref, norm_ref, out_hbm, *rest):
    bufs, sems = rest[:_NBUF], rest[_NBUF]
    t = pl.program_id(0)

    def _copy(step, b):
        return pltpu.make_async_copy(
            bufs[b],
            out_hbm.at[:, pl.ds((step * _NBUF + b) * _TILE_O, _TILE_O)],
            sems.at[b])

    for b in range(_NBUF):
        @pl.when(t > 0)
        def _retire(b=b):
            _copy(t - 1, b).wait()

        bufs[b][:] = lax.dot_general(
            emb_ref[:], w_ref[pl.ds(b * _TILE_O, _TILE_O), :],
            (((1,), (1,)), ((), ())),
            preferred_element_type=jnp.float32) - norm_ref[:]
        _copy(t, b).start(priority=b % 2)

    @pl.when(t == nsteps - 1)
    def _drain():
        for b in range(_NBUF):
            _copy(t, b).wait()


def _tail_body(emb_ref, w_ref, norm_ref, big_ref, out_ref):
    del big_ref
    out_ref[:] = lax.dot_general(
        emb_ref[:], w_ref[:], (((1,), (1,)), ((), ())),
        preferred_element_type=jnp.float32) - norm_ref[:]


def kernel(inputs, emb_table, out_weight):
    V, D = out_weight.shape
    B = inputs.shape[0]
    nt = pl.cdiv(V, _TILE)

    embeds = _sc_gather(emb_table, inputs)
    emb16 = embeds.astype(jnp.bfloat16)
    w16 = out_weight.astype(jnp.bfloat16)

    norm = pl.pallas_call(
        functools.partial(_stats_body, nt, V),
        grid=(nt,),
        in_specs=[
            pl.BlockSpec((B, D), lambda t: (0, 0)),
            pl.BlockSpec((_TILE, D), lambda t: (t, 0)),
        ],
        out_specs=pl.BlockSpec((B, 1), lambda t: (0, 0)),
        out_shape=jax.ShapeDtypeStruct((B, 1), jnp.float32),
        scratch_shapes=[
            pltpu.VMEM((B, 1), jnp.float32),
            pltpu.VMEM((B, 1), jnp.float32),
        ],
    )(emb16, w16)

    chunk = _NBUF * _TILE_O
    nsteps = V // chunk
    tail_cols = V - nsteps * chunk
    main = pl.pallas_call(
        functools.partial(_out_ring_body, nsteps),
        grid=(nsteps,),
        in_specs=[
            pl.BlockSpec((B, D), lambda t: (0, 0)),
            pl.BlockSpec((chunk, D), lambda t: (t, 0)),
            pl.BlockSpec((B, 1), lambda t: (0, 0)),
        ],
        out_specs=pl.BlockSpec(memory_space=pl.ANY),
        out_shape=jax.ShapeDtypeStruct((B, V), jnp.float32),
        scratch_shapes=(
            [pltpu.VMEM((B, _TILE_O), jnp.float32) for _ in range(_NBUF)]
            + [pltpu.SemaphoreType.DMA((_NBUF,))]),
    )(emb16, w16, norm)

    tail_tile = chunk // 2
    log_probs = pl.pallas_call(
        _tail_body,
        grid=(1,),
        in_specs=[
            pl.BlockSpec((B, D), lambda t: (0, 0)),
            pl.BlockSpec((tail_tile, D), lambda t: (nsteps * chunk // tail_tile, 0)),
            pl.BlockSpec((B, 1), lambda t: (0, 0)),
            pl.BlockSpec(memory_space=pl.ANY),
        ],
        out_specs=pl.BlockSpec((B, tail_tile),
                               lambda t: (0, nsteps * chunk // tail_tile)),
        out_shape=jax.ShapeDtypeStruct((B, V), jnp.float32),
        input_output_aliases={3: 0},
    )(emb16, w16, norm, main)

    return log_probs

# --- scband reference (transcript-rebuilt; emitter-appended) ---
"""Pipeline reference for scband-skip-gram-model-55250459296122 (READ-ONLY COPY).

The authoritative reference and input builder live on the scoring server;
editing this copy changes nothing except your own understanding.
"""

import jax, jax.numpy as jnp
import numpy as np

VOCAB = 100000
EMB = 64
BATCH = 1024

def setup_inputs(seed: int = 0) -> dict:
    key = jax.random.key(seed)
    k1, k2, k3 = jax.random.split(key, 3)
    inputs = jax.random.randint(k1, (BATCH,), 0, VOCAB, dtype=jnp.int64 if jax.config.jax_enable_x64 else jnp.int32).astype(jnp.int32)
    emb_table = jax.random.normal(k2, (VOCAB, EMB), dtype=jnp.float32) * 0.02
    out_weight = jax.random.normal(k3, (VOCAB, EMB), dtype=jnp.float32) * 0.02
    return {"inputs": inputs, "emb_table": emb_table, "out_weight": out_weight}

def reference(inputs, emb_table, out_weight):
    # nn.Embedding lookup -> gather
    embeds = jnp.take(emb_table, inputs, axis=0)  # [B, EMB]
    # nn.Linear(embedding_dim, vocab_size, bias=False): y = x @ W.T with W: [vocab, emb]
    logits = embeds @ out_weight.T  # [B, VOCAB]
    log_probs = jax.nn.log_softmax(logits, axis=1)
    return log_probs

if __name__ == "__main__":
    import jax
    _d = setup_inputs()
    print(jax.jit(kernel)(*tuple(_d.values())))

</pallas_src>

<mosaic_0001>
#map = affine_map<(d0, d1) -> (0, 0)>
#map1 = affine_map<(d0, d1) -> (0)>
module attributes {stable_mosaic.version = 14 : i64} {
  func.func @gather_kernel(%arg0: i32, %arg1: i32, %arg2: memref<100000x64xf32, #tpu.memory_space<hbm>>, %arg3: memref<1024xi32, #tpu.memory_space<hbm>>, %arg4: memref<1024x64xf32, #tpu.memory_space<hbm>>, %arg5: memref<32xi32, #tpu.memory_space<vmem>>, %arg6: memref<32x64xf32, #tpu.memory_space<vmem>>, %arg7: memref<!tpu.dma_semaphore, #tpu.memory_space<semaphore_mem>>) attributes {dimension_semantics = [#tpu.dimension_semantics<core_parallel>, #tpu.dimension_semantics<subcore_parallel>], iteration_bounds = array<i64: 2, 16>, scalar_prefetch = 0 : i64, scratch_operands = 3 : i64, tpu.core_type = #tpu.core_type<sc_vector_subcore>, window_params = [{transform_indices = #map}, {transform_indices = #map1}, {transform_indices = #map}]} {
    %mul3A = arith.constant 2 : i32
    %mul3A_0 = arith.muli %arg1, %mul3A : i32
    %add3A = arith.addi %mul3A_0, %arg0 : i32
    %mul3A_1 = arith.constant 32 : i32
    %mul3A_2 = arith.muli %add3A, %mul3A_1 : i32
    "tpu.region"() ({
      %run_scoped3A = tpu.sem_alloc : memref<!tpu.dma_semaphore, #tpu.memory_space<semaphore_mem>>
      %dma_start3A_7 = tpu.memref_slice %arg3[%mul3A_2] : memref<1024xi32, #tpu.memory_space<hbm>> -> memref<32xi32, #tpu.memory_space<hbm>>
      %dma_start3A_8 = tpu.memref_slice %arg3[%mul3A_2] : memref<1024xi32, #tpu.memory_space<hbm>> -> memref<32xi32, #tpu.memory_space<hbm>>
      tpu.enqueue_dma source(%dma_start3A_8 : memref<32xi32, #tpu.memory_space<hbm>>) target(%arg5 : memref<32xi32, #tpu.memory_space<vmem>>) target_semaphore(%run_scoped3A : memref<!tpu.dma_semaphore, #tpu.memory_space<semaphore_mem>>)
      %dma_wait3A_9 = tpu.memref_slice %arg3[%mul3A_2] : memref<1024xi32, #tpu.memory_space<hbm>> -> memref<32xi32, #tpu.memory_space<hbm>>
      %dma_wait3A_10 = tpu.memref_slice %arg3[%mul3A_2] : memref<1024xi32, #tpu.memory_space<hbm>> -> memref<32xi32, #tpu.memory_space<hbm>>
      tpu.wait_dma2 semaphore(%run_scoped3A : memref<!tpu.dma_semaphore, #tpu.memory_space<semaphore_mem>>) src(%dma_wait3A_10 : memref<32xi32, #tpu.memory_space<hbm>>) dst(%arg5 : memref<32xi32, #tpu.memory_space<vmem>>)
      tpu.yield
    }) : () -> ()
    %dma_start3A = arith.constant 0 : i32
    %dma_start3A_3 = arith.constant 0 : i32
    %dma_start3A_4 = tpu.memref_slice %arg2[%dma_start3A, %dma_start3A_3] : memref<100000x64xf32, #tpu.memory_space<hbm>> -> memref<100000x64xf32, #tpu.memory_space<hbm>>
    tpu.enqueue_indirect_dma source(%dma_start3A_4 : memref<100000x64xf32, #tpu.memory_space<hbm>>) target(%arg6 : memref<32x64xf32, #tpu.memory_space<vmem>>) offsets(%arg5 : memref<32xi32, #tpu.memory_space<vmem>>) semaphore(%arg7 : memref<!tpu.dma_semaphore, #tpu.memory_space<semaphore_mem>>)
    %dma_wait3A = arith.constant 0 : i32
    %dma_wait3A_5 = arith.constant 0 : i32
    %dma_wait3A_6 = tpu.memref_slice %arg2[%dma_wait3A, %dma_wait3A_5] : memref<100000x64xf32, #tpu.memory_space<hbm>> -> memref<100000x64xf32, #tpu.memory_space<hbm>>
    tpu.wait_indirect_dma semaphore(%arg7 : memref<!tpu.dma_semaphore, #tpu.memory_space<semaphore_mem>>) src(%dma_wait3A_6 : memref<100000x64xf32, #tpu.memory_space<hbm>>) dst(%arg6 : memref<32x64xf32, #tpu.memory_space<vmem>>)
    "tpu.region"() ({
      %run_scoped3A = tpu.sem_alloc : memref<!tpu.dma_semaphore, #tpu.memory_space<semaphore_mem>>
      %dma_start3A_7 = arith.constant 0 : i32
      %dma_start3A_8 = tpu.memref_slice %arg4[%mul3A_2, %dma_start3A_7] : memref<1024x64xf32, #tpu.memory_space<hbm>> -> memref<32x64xf32, #tpu.memory_space<hbm>>
      %dma_start3A_9 = arith.constant 0 : i32
      %dma_start3A_10 = tpu.memref_slice %arg4[%mul3A_2, %dma_start3A_9] : memref<1024x64xf32, #tpu.memory_space<hbm>> -> memref<32x64xf32, #tpu.memory_space<hbm>>
      tpu.enqueue_dma source(%arg6 : memref<32x64xf32, #tpu.memory_space<vmem>>) target(%dma_start3A_10 : memref<32x64xf32, #tpu.memory_space<hbm>>) target_semaphore(%run_scoped3A : memref<!tpu.dma_semaphore, #tpu.memory_space<semaphore_mem>>)
      %dma_wait3A_11 = arith.constant 0 : i32
      %dma_wait3A_12 = tpu.memref_slice %arg4[%mul3A_2, %dma_wait3A_11] : memref<1024x64xf32, #tpu.memory_space<hbm>> -> memref<32x64xf32, #tpu.memory_space<hbm>>
      %dma_wait3A_13 = arith.constant 0 : i32
      %dma_wait3A_14 = tpu.memref_slice %arg4[%mul3A_2, %dma_wait3A_13] : memref<1024x64xf32, #tpu.memory_space<hbm>> -> memref<32x64xf32, #tpu.memory_space<hbm>>
      tpu.wait_dma2 semaphore(%run_scoped3A : memref<!tpu.dma_semaphore, #tpu.memory_space<semaphore_mem>>) src(%arg6 : memref<32x64xf32, #tpu.memory_space<vmem>>) dst(%dma_wait3A_14 : memref<32x64xf32, #tpu.memory_space<hbm>>)
      tpu.yield
    }) : () -> ()
    return
  }
}

module attributes {stable_mosaic.version = 14 : i64} {
  func.func @_stats_body(%arg0: i32, %arg1: memref<1024x64xbf16, #tpu.memory_space<vmem>>, %arg2: memref<2048x64xbf16, #tpu.memory_space<vmem>>, %arg3: memref<1024x1xf32, #tpu.memory_space<vmem>>, %arg4: memref<1024x1xf32, #tpu.memory_space<vmem>>, %arg5: memref<1024x1xf32, #tpu.memory_space<vmem>>) attributes {dimension_semantics = [#tpu.dimension_semantics<arbitrary>], iteration_bounds = array<i64: 49>, scalar_prefetch = 0 : i64, scratch_operands = 2 : i64, tpu.core_type = #tpu.core_type<tc>, window_params = [{pipeline_mode = #tpu.pipeline_mode<synchronous>, transform_indices = @transform_0, window_bounds = array<i64: 1024, 64>}, {transform_indices = @transform_1, window_bounds = array<i64: 2048, 64>}, {pipeline_mode = #tpu.pipeline_mode<synchronous>, transform_indices = @transform_2, window_bounds = array<i64: 1024, 1>}]} {
    %eq3A = arith.constant 0 : i32
    %eq3A_0 = arith.cmpi eq, %arg0, %eq3A : i32
    %convert_element_type3A = arith.extui %eq3A_0 : i1 to i32
    %cond3A = arith.constant 0 : i32
    %cond3A_1 = arith.cmpi ne, %convert_element_type3A, %cond3A : i32
    scf.if %cond3A_1 {
      %broadcast_in_dim3A = arith.constant 0xFF800000 : f32
      %broadcast_in_dim3A_17 = vector.broadcast %broadcast_in_dim3A : f32 to vector<1024x1xf32>
      %swap3A = arith.constant 0 : index
      %swap3A_18 = arith.constant 0 : index
      %swap3A_19 = vector.load %arg4[%swap3A, %swap3A_18] : memref<1024x1xf32, #tpu.memory_space<vmem>>, vector<1024x1xf32>
      tpu.vector_store %arg4[%swap3A, %swap3A_18], %broadcast_in_dim3A_17 {strides = array<i32>} : memref<1024x1xf32, #tpu.memory_space<vmem>>, vector<1024x1xf32>,
      %broadcast_in_dim3A_20 = arith.constant 0.000000e+00 : f32
      %broadcast_in_dim3A_21 = vector.broadcast %broadcast_in_dim3A_20 : f32 to vector<1024x1xf32>
      %swap3A_22 = arith.constant 0 : index
      %swap3A_23 = arith.constant 0 : index
      %swap3A_24 = vector.load %arg5[%swap3A_22, %swap3A_23] : memref<1024x1xf32, #tpu.memory_space<vmem>>, vector<1024x1xf32>
      tpu.vector_store %arg5[%swap3A_22, %swap3A_23], %broadcast_in_dim3A_21 {strides = array<i32>} : memref<1024x1xf32, #tpu.memory_space<vmem>>, vector<1024x1xf32>,
    } else {
    }
    %get3A = arith.constant 0 : index
    %get3A_2 = arith.constant 0 : index
    %get3A_3 = vector.load %arg1[%get3A, %get3A_2] : memref<1024x64xbf16, #tpu.memory_space<vmem>>, vector<1024x64xbf16>
    %get3A_4 = arith.constant 0 : index
    %get3A_5 = arith.constant 0 : index
    %get3A_6 = vector.load %arg2[%get3A_4, %get3A_5] : memref<2048x64xbf16, #tpu.memory_space<vmem>>, vector<2048x64xbf16>
    %dot_general3A = arith.constant dense<0.000000e+00> : vector<1024x2048xf32>
    %dot_general3A_7 = tpu.matmul %get3A_3, %get3A_6, %dot_general3A {dimension_numbers = #tpu.dot_dimension_numbers<[1], [1], [0], [0], [0, 0, 1, 0], [], []>, transpose_lhs_hint = false} : vector<1024x64xbf16>, vector<2048x64xbf16>, vector<1024x2048xf32> -> vector<1024x2048xf32>
    %lt3A = arith.constant 48 : i32
    %lt3A_8 = arith.cmpi slt, %arg0, %lt3A : i32
    %convert_element_type3A_9 = arith.extui %lt3A_8 : i1 to i32
    %cond3A_10 = arith.constant 0 : i32
    %cond3A_11 = arith.cmpi ne, %convert_element_type3A_9, %cond3A_10 : i32
    scf.if %cond3A_11 {
      %reduce_max3A = arith.constant dense<0xFF800000> : vector<1024xf32>
      %reduce_max3A_17 = vector.multi_reduction <maximumf>, %dot_general3A_7, %reduce_max3A [1] : vector<1024x2048xf32> to vector<1024xf32>
      %broadcast_in_dim3A = vector.shape_cast %reduce_max3A_17 : vector<1024xf32> to vector<1024x1xf32>
      %get3A_18 = arith.constant 0 : index
      %get3A_19 = arith.constant 0 : index
      %get3A_20 = vector.load %arg4[%get3A_18, %get3A_19] : memref<1024x1xf32, #tpu.memory_space<vmem>>, vector<1024x1xf32>
      %max3A = arith.maximumf %get3A_20, %broadcast_in_dim3A : vector<1024x1xf32>
      %get3A_21 = arith.constant 0 : index
      %get3A_22 = arith.constant 0 : index
      %get3A_23 = vector.load %arg5[%get3A_21, %get3A_22] : memref<1024x1xf32, #tpu.memory_space<vmem>>, vector<1024x1xf32>
      %sub3A = arith.subf %get3A_20, %max3A : vector<1024x1xf32>
      %exp3A = math.exp %sub3A : vector<1024x1xf32>
      %mul3A = arith.mulf %get3A_23, %exp3A : vector<1024x1xf32>
      %sub3A_24 = vector.broadcast %max3A : vector<1024x1xf32> to vector<1024x2048xf32>
      %sub3A_25 = arith.subf %dot_general3A_7, %sub3A_24 : vector<1024x2048xf32>
      %exp3A_26 = math.exp %sub3A_25 : vector<1024x2048xf32>
      %reduce_sum3A = arith.constant dense<0.000000e+00> : vector<1024xf32>
      %reduce_sum3A_27 = vector.multi_reduction <add>, %exp3A_26, %reduce_sum3A [1] : vector<1024x2048xf32> to vector<1024xf32>
      %broadcast_in_dim3A_28 = vector.shape_cast %reduce_sum3A_27 : vector<1024xf32> to vector<1024x1xf32>
      %add3A = arith.addf %mul3A, %broadcast_in_dim3A_28 : vector<1024x1xf32>
      %swap3A = arith.constant 0 : index
      %swap3A_29 = arith.constant 0 : index
      %swap3A_30 = vector.load %arg5[%swap3A, %swap3A_29] : memref<1024x1xf32, #tpu.memory_space<vmem>>, vector<1024x1xf32>
      tpu.vector_store %arg5[%swap3A, %swap3A_29], %add3A {strides = array<i32>} : memref<1024x1xf32, #tpu.memory_space<vmem>>, vector<1024x1xf32>,
      %swap3A_31 = arith.constant 0 : index
      %swap3A_32 = arith.constant 0 : index
      %swap3A_33 = vector.load %arg4[%swap3A_31, %swap3A_32] : memref<1024x1xf32, #tpu.memory_space<vmem>>, vector<1024x1xf32>
      tpu.vector_store %arg4[%swap3A_31, %swap3A_32], %max3A {strides = array<i32>} : memref<1024x1xf32, #tpu.memory_space<vmem>>, vector<1024x1xf32>,
    } else {
    }
    %eq3A_12 = arith.constant 48 : i32
    %eq3A_13 = arith.cmpi eq, %arg0, %eq3A_12 : i32
    %convert_element_type3A_14 = arith.extui %eq3A_13 : i1 to i32
    %cond3A_15 = arith.constant 0 : i32
    %cond3A_16 = arith.cmpi ne, %convert_element_type3A_14, %cond3A_15 : i32
    scf.if %cond3A_16 {
      %mul3A = arith.constant 2048 : i32
      %mul3A_17 = arith.muli %arg0, %mul3A : i32
      %iota3A = tpu.iota {dimensions = array<i32: 1>} : vector<1024x2048xi32>
      %add3A = vector.broadcast %mul3A_17 : i32 to vector<1024x2048xi32>
      %add3A_18 = arith.addi %add3A, %iota3A : vector<1024x2048xi32>
      %lt3A_19 = arith.constant 100000 : i32
      %lt3A_20 = vector.broadcast %lt3A_19 : i32 to vector<1024x2048xi32>
      %lt3A_21 = arith.cmpi slt, %add3A_18, %lt3A_20 : vector<1024x2048xi32>
      %jit3A = arith.constant 0xFF800000 : f32
      %broadcast_in_dim3A = vector.broadcast %jit3A : f32 to vector<1024x2048xf32>
      %select_n3A = arith.select %lt3A_21, %dot_general3A_7, %broadcast_in_dim3A : vector<1024x2048xi1>, vector<1024x2048xf32>
      %reduce_max3A = arith.constant dense<0xFF800000> : vector<1024xf32>
      %reduce_max3A_22 = vector.multi_reduction <maximumf>, %select_n3A, %reduce_max3A [1] : vector<1024x2048xf32> to vector<1024xf32>
      %broadcast_in_dim3A_23 = vector.shape_cast %reduce_max3A_22 : vector<1024xf32> to vector<1024x1xf32>
      %get3A_24 = arith.constant 0 : index
      %get3A_25 = arith.constant 0 : index
      %get3A_26 = vector.load %arg4[%get3A_24, %get3A_25] : memref<1024x1xf32, #tpu.memory_space<vmem>>, vector<1024x1xf32>
      %max3A = arith.maximumf %get3A_26, %broadcast_in_dim3A_23 : vector<1024x1xf32>
      %get3A_27 = arith.constant 0 : index
      %get3A_28 = arith.constant 0 : index
      %get3A_29 = vector.load %arg5[%get3A_27, %get3A_28] : memref<1024x1xf32, #tpu.memory_space<vmem>>, vector<1024x1xf32>
      %sub3A = arith.subf %get3A_26, %max3A : vector<1024x1xf32>
      %exp3A = math.exp %sub3A : vector<1024x1xf32>
      %mul3A_30 = arith.mulf %get3A_29, %exp3A : vector<1024x1xf32>
      %sub3A_31 = vector.broadcast %max3A : vector<1024x1xf32> to vector<1024x2048xf32>
      %sub3A_32 = arith.subf %select_n3A, %sub3A_31 : vector<1024x2048xf32>
      %exp3A_33 = math.exp %sub3A_32 : vector<1024x2048xf32>
      %reduce_sum3A = arith.constant dense<0.000000e+00> : vector<1024xf32>
      %reduce_sum3A_34 = vector.multi_reduction <add>, %exp3A_33, %reduce_sum3A [1] : vector<1024x2048xf32> to vector<1024xf32>
      %broadcast_in_dim3A_35 = vector.shape_cast %reduce_sum3A_34 : vector<1024xf32> to vector<1024x1xf32>
      %add3A_36 = arith.addf %mul3A_30, %broadcast_in_dim3A_35 : vector<1024x1xf32>
      %swap3A = arith.constant 0 : index
      %swap3A_37 = arith.constant 0 : index
      %swap3A_38 = vector.load %arg5[%swap3A, %swap3A_37] : memref<1024x1xf32, #tpu.memory_space<vmem>>, vector<1024x1xf32>
      tpu.vector_store %arg5[%swap3A, %swap3A_37], %add3A_36 {strides = array<i32>} : memref<1024x1xf32, #tpu.memory_space<vmem>>, vector<1024x1xf32>,
      %swap3A_39 = arith.constant 0 : index
      %swap3A_40 = arith.constant 0 : index
      %swap3A_41 = vector.load %arg4[%swap3A_39, %swap3A_40] : memref<1024x1xf32, #tpu.memory_space<vmem>>, vector<1024x1xf32>
      tpu.vector_store %arg4[%swap3A_39, %swap3A_40], %max3A {strides = array<i32>} : memref<1024x1xf32, #tpu.memory_space<vmem>>, vector<1024x1xf32>,
      %get3A_42 = arith.constant 0 : index
      %get3A_43 = arith.constant 0 : index
      %get3A_44 = vector.load %arg4[%get3A_42, %get3A_43] : memref<1024x1xf32, #tpu.memory_space<vmem>>, vector<1024x1xf32>
      %get3A_45 = arith.constant 0 : index
      %get3A_46 = arith.constant 0 : index
      %get3A_47 = vector.load %arg5[%get3A_45, %get3A_46] : memref<1024x1xf32, #tpu.memory_space<vmem>>, vector<1024x1xf32>
      %log3A = math.log %get3A_47 : vector<1024x1xf32>
      %add3A_48 = arith.addf %get3A_44, %log3A : vector<1024x1xf32>
      %swap3A_49 = arith.constant 0 : index
      %swap3A_50 = arith.constant 0 : index
      %swap3A_51 = vector.load %arg3[%swap3A_49, %swap3A_50] : memref<1024x1xf32, #tpu.memory_space<vmem>>, vector<1024x1xf32>
      tpu.vector_store %arg3[%swap3A_49, %swap3A_50], %add3A_48 {strides = array<i32>} : memref<1024x1xf32, #tpu.memory_space<vmem>>, vector<1024x1xf32>,
    } else {
    }
    return
  }
  func.func @transform_0(%arg0: i32) -> (i32, i32) {
    %c0_i32 = arith.constant 0 : i32
    %c0_i32_0 = arith.constant 0 : i32
    %c0_i32_1 = arith.constant 0 : i32
    return %c0_i32, %c0_i32_0 : i32, i32
  }
  func.func @transform_1(%arg0: i32) -> (i32, i32) {
    %c0_i32 = arith.constant 0 : i32
    %c0_i32_0 = arith.constant 0 : i32
    return %arg0, %c0_i32 : i32, i32
  }
  func.func @transform_2(%arg0: i32) -> (i32, i32) {
    %c0_i32 = arith.constant 0 : i32
    %c0_i32_0 = arith.constant 0 : i32
    %c0_i32_1 = arith.constant 0 : i32
    return %c0_i32, %c0_i32_0 : i32, i32
  }
}

module attributes {stable_mosaic.version = 14 : i64} {
  func.func @_out_ring_body(%arg0: i32, %arg1: memref<1024x64xbf16, #tpu.memory_space<vmem>>, %arg2: memref<4096x64xbf16, #tpu.memory_space<vmem>>, %arg3: memref<1024x1xf32, #tpu.memory_space<vmem>>, %arg4: memref<1024x100000xf32, #tpu.memory_space<any>>, %arg5: memref<1024x256xf32, #tpu.memory_space<vmem>>, %arg6: memref<1024x256xf32, #tpu.memory_space<vmem>>, %arg7: memref<1024x256xf32, #tpu.memory_space<vmem>>, %arg8: memref<1024x256xf32, #tpu.memory_space<vmem>>, %arg9: memref<1024x256xf32, #tpu.memory_space<vmem>>, %arg10: memref<1024x256xf32, #tpu.memory_space<vmem>>, %arg11: memref<1024x256xf32, #tpu.memory_space<vmem>>, %arg12: memref<1024x256xf32, #tpu.memory_space<vmem>>, %arg13: memref<1024x256xf32, #tpu.memory_space<vmem>>, %arg14: memref<1024x256xf32, #tpu.memory_space<vmem>>, %arg15: memref<1024x256xf32, #tpu.memory_space<vmem>>, %arg16: memref<1024x256xf32, #tpu.memory_space<vmem>>, %arg17: memref<1024x256xf32, #tpu.memory_space<vmem>>, %arg18: memref<1024x256xf32, #tpu.memory_space<vmem>>, %arg19: memref<1024x256xf32, #tpu.memory_space<vmem>>, %arg20: memref<1024x256xf32, #tpu.memory_space<vmem>>, %arg21: memref<16x!tpu.dma_semaphore, #tpu.memory_space<semaphore_mem>>) attributes {dimension_semantics = [#tpu.dimension_semantics<arbitrary>], iteration_bounds = array<i64: 24>, scalar_prefetch = 0 : i64, scratch_operands = 17 : i64, tpu.core_type = #tpu.core_type<tc>, window_params = [{pipeline_mode = #tpu.pipeline_mode<synchronous>, transform_indices = @transform_0, window_bounds = array<i64: 1024, 64>}, {transform_indices = @transform_1, window_bounds = array<i64: 4096, 64>}, {pipeline_mode = #tpu.pipeline_mode<synchronous>, transform_indices = @transform_2, window_bounds = array<i64: 1024, 1>}, {}]} {
    %gt3A = arith.constant 0 : i32
    %gt3A_0 = arith.cmpi sgt, %arg0, %gt3A : i32
    %convert_element_type3A = arith.extui %gt3A_0 : i1 to i32
    %cond3A = arith.constant 0 : i32
    %cond3A_1 = arith.cmpi ne, %convert_element_type3A, %cond3A : i32
    scf.if %cond3A_1 {
      %sub3A_506 = arith.constant 1 : i32
      %sub3A_507 = arith.subi %arg0, %sub3A_506 : i32
      %mul3A_508 = arith.constant 16 : i32
      %mul3A_509 = arith.muli %sub3A_507, %mul3A_508 : i32
      %add3A_510 = arith.constant 0 : i32
      %add3A_511 = arith.addi %mul3A_509, %add3A_510 : i32
      %mul3A_512 = arith.constant 256 : i32
      %mul3A_513 = arith.muli %add3A_511, %mul3A_512 : i32
      %dma_wait3A = arith.constant 0 : i32
      %dma_wait3A_514 = tpu.memref_slice %arg21[%dma_wait3A] : memref<16x!tpu.dma_semaphore, #tpu.memory_space<semaphore_mem>> -> memref<1x!tpu.dma_semaphore, #tpu.memory_space<semaphore_mem>>
      %dma_wait3A_515 = tpu.memref_squeeze %dma_wait3A_514 : memref<1x!tpu.dma_semaphore, #tpu.memory_space<semaphore_mem>> -> memref<!tpu.dma_semaphore, #tpu.memory_space<semaphore_mem>>
      %dma_wait3A_516 = arith.constant 0 : i32
      %dma_wait3A_517 = tpu.memref_slice %arg4[%dma_wait3A_516, %mul3A_513] : memref<1024x100000xf32, #tpu.memory_space<any>> -> memref<1024x256xf32, #tpu.memory_space<any>>
      tpu.wait_dma2 semaphore(%dma_wait3A_515 : memref<!tpu.dma_semaphore, #tpu.memory_space<semaphore_mem>>) src(%arg5 : memref<1024x256xf32, #tpu.memory_space<vmem>>) dst(%dma_wait3A_517 : memref<1024x256xf32, #tpu.memory_space<any>>)
    } else {
    }
    %get3A = arith.constant 0 : index
    %get3A_2 = arith.constant 0 : index
    %get3A_3 = vector.load %arg1[%get3A, %get3A_2] : memref<1024x64xbf16, #tpu.memory_space<vmem>>, vector<1024x64xbf16>
    %get3A_4 = arith.constant 0 : index
    %get3A_5 = arith.constant 0 : index
    %get3A_6 = vector.load %arg2[%get3A_4, %get3A_5] : memref<4096x64xbf16, #tpu.memory_space<vmem>>, vector<256x64xbf16>
    %dot_general3A = arith.constant dense<0.000000e+00> : vector<1024x256xf32>
    %dot_general3A_7 = tpu.matmul %get3A_3, %get3A_6, %dot_general3A {dimension_numbers = #tpu.dot_dimension_numbers<[1], [1], [0], [0], [0, 0, 1, 0], [], []>, transpose_lhs_hint = false} : vector<1024x64xbf16>, vector<256x64xbf16>, vector<1024x256xf32> -> vector<1024x256xf32>
    %get3A_8 = arith.constant 0 : index
    %get3A_9 = arith.constant 0 : index
    %get3A_10 = vector.load %arg3[%get3A_8, %get3A_9] : memref<1024x1xf32, #tpu.memory_space<vmem>>, vector<1024x1xf32>
    %sub3A = vector.broadcast %get3A_10 : vector<1024x1xf32> to vector<1024x256xf32>
    %sub3A_11 = arith.subf %dot_general3A_7, %sub3A : vector<1024x256xf32>
    %swap3A = arith.constant 0 : index
    %swap3A_12 = arith.constant 0 : index
    %swap3A_13 = vector.load %arg5[%swap3A, %swap3A_12] : memref<1024x256xf32, #tpu.memory_space<vmem>>, vector<1024x256xf32>
    tpu.vector_store %arg5[%swap3A, %swap3A_12], %sub3A_11 {strides = array<i32>} : memref<1024x256xf32, #tpu.memory_space<vmem>>, vector<1024x256xf32>,
    %mul3A = arith.constant 16 : i32
    %mul3A_14 = arith.muli %arg0, %mul3A : i32
    %add3A = arith.constant 0 : i32
    %add3A_15 = arith.addi %mul3A_14, %add3A : i32
    %mul3A_16 = arith.constant 256 : i32
    %mul3A_17 = arith.muli %add3A_15, %mul3A_16 : i32
    %dma_start3A = arith.constant 0 : i32
    %dma_start3A_18 = tpu.memref_slice %arg21[%dma_start3A] : memref<16x!tpu.dma_semaphore, #tpu.memory_space<semaphore_mem>> -> memref<1x!tpu.dma_semaphore, #tpu.memory_space<semaphore_mem>>
    %dma_start3A_19 = tpu.memref_squeeze %dma_start3A_18 : memref<1x!tpu.dma_semaphore, #tpu.memory_space<semaphore_mem>> -> memref<!tpu.dma_semaphore, #tpu.memory_space<semaphore_mem>>
    %dma_start3A_20 = arith.constant 0 : i32
    %dma_start3A_21 = tpu.memref_slice %arg4[%dma_start3A_20, %mul3A_17] : memref<1024x100000xf32, #tpu.memory_space<any>> -> memref<1024x256xf32, #tpu.memory_space<any>>
    tpu.enqueue_dma source(%arg5 : memref<1024x256xf32, #tpu.memory_space<vmem>>) target(%dma_start3A_21 : memref<1024x256xf32, #tpu.memory_space<any>>) target_semaphore(%dma_start3A_19 : memref<!tpu.dma_semaphore, #tpu.memory_space<semaphore_mem>>)
    %gt3A_22 = arith.constant 0 : i32
    %gt3A_23 = arith.cmpi sgt, %arg0, %gt3A_22 : i32
    %convert_element_type3A_24 = arith.extui %gt3A_23 : i1 to i32
    %cond3A_25 = arith.constant 0 : i32
    %cond3A_26 = arith.cmpi ne, %convert_element_type3A_24, %cond3A_25 : i32
    scf.if %cond3A_26 {
      %sub3A_506 = arith.constant 1 : i32
      %sub3A_507 = arith.subi %arg0, %sub3A_506 : i32
      %mul3A_508 = arith.constant 16 : i32
      %mul3A_509 = arith.muli %sub3A_507, %mul3A_508 : i32
      %add3A_510 = arith.constant 1 : i32
      %add3A_511 = arith.addi %mul3A_509, %add3A_510 : i32
      %mul3A_512 = arith.constant 256 : i32
      %mul3A_513 = arith.muli %add3A_511, %mul3A_512 : i32
      %dma_wait3A = arith.constant 1 : i32
      %dma_wait3A_514 = tpu.memref_slice %arg21[%dma_wait3A] : memref<16x!tpu.dma_semaphore, #tpu.memory_space<semaphore_mem>> -> memref<1x!tpu.dma_semaphore, #tpu.memory_space<semaphore_mem>>
      %dma_wait3A_515 = tpu.memref_squeeze %dma_wait3A_514 : memref<1x!tpu.dma_semaphore, #tpu.memory_space<semaphore_mem>> -> memref<!tpu.dma_semaphore, #tpu.memory_space<semaphore_mem>>
      %dma_wait3A_516 = arith.constant 0 : i32
      %dma_wait3A_517 = tpu.memref_slice %arg4[%dma_wait3A_516, %mul3A_513] : memref<1024x100000xf32, #tpu.memory_space<any>> -> memref<1024x256xf32, #tpu.memory_space<any>>
      tpu.wait_dma2 semaphore(%dma_wait3A_515 : memref<!tpu.dma_semaphore, #tpu.memory_space<semaphore_mem>>) src(%arg6 : memref<1024x256xf32, #tpu.memory_space<vmem>>) dst(%dma_wait3A_517 : memref<1024x256xf32, #tpu.memory_space<any>>)
    } else {
    }
    %get3A_27 = arith.constant 0 : index
    %get3A_28 = arith.constant 0 : index
    %get3A_29 = vector.load %arg1[%get3A_27, %get3A_28] : memref<1024x64xbf16, #tpu.memory_space<vmem>>, vector<1024x64xbf16>
    %get3A_30 = arith.constant 256 : index
    %get3A_31 = arith.constant 0 : index
    %get3A_32 = vector.load %arg2[%get3A_30, %get3A_31] : memref<4096x64xbf16, #tpu.memory_space<vmem>>, vector<256x64xbf16>
    %dot_general3A_33 = arith.constant dense<0.000000e+00> : vector<1024x256xf32>
    %dot_general3A_34 = tpu.matmul %get3A_29, %get3A_32, %dot_general3A_33 {dimension_numbers = #tpu.dot_dimension_numbers<[1], [1], [0], [0], [0, 0, 1, 0], [], []>, transpose_lhs_hint = false} : vector<1024x64xbf16>, vector<256x64xbf16>, vector<1024x256xf32> -> vector<1024x256xf32>
    %get3A_35 = arith.constant 0 : index
    %get3A_36 = arith.constant 0 : index
    %get3A_37 = vector.load %arg3[%get3A_35, %get3A_36] : memref<1024x1xf32, #tpu.memory_space<vmem>>, vector<1024x1xf32>
    %sub3A_38 = vector.broadcast %get3A_37 : vector<1024x1xf32> to vector<1024x256xf32>
    %sub3A_39 = arith.subf %dot_general3A_34, %sub3A_38 : vector<1024x256xf32>
    %swap3A_40 = arith.constant 0 : index
    %swap3A_41 = arith.constant 0 : index
    %swap3A_42 = vector.load %arg6[%swap3A_40, %swap3A_41] : memref<1024x256xf32, #tpu.memory_space<vmem>>, vector<1024x256xf32>
    tpu.vector_store %arg6[%swap3A_40, %swap3A_41], %sub3A_39 {strides = array<i32>} : memref<1024x256xf32, #tpu.memory_space<vmem>>, vector<1024x256xf32>,
    %mul3A_43 = arith.constant 16 : i32
    %mul3A_44 = arith.muli %arg0, %mul3A_43 : i32
    %add3A_45 = arith.constant 1 : i32
    %add3A_46 = arith.addi %mul3A_44, %add3A_45 : i32
    %mul3A_47 = arith.constant 256 : i32
    %mul3A_48 = arith.muli %add3A_46, %mul3A_47 : i32
    %dma_start3A_49 = arith.constant 1 : i32
    %dma_start3A_50 = tpu.memref_slice %arg21[%dma_start3A_49] : memref<16x!tpu.dma_semaphore, #tpu.memory_space<semaphore_mem>> -> memref<1x!tpu.dma_semaphore, #tpu.memory_space<semaphore_mem>>
    %dma_start3A_51 = tpu.memref_squeeze %dma_start3A_50 : memref<1x!tpu.dma_semaphore, #tpu.memory_space<semaphore_mem>> -> memref<!tpu.dma_semaphore, #tpu.memory_space<semaphore_mem>>
    %dma_start3A_52 = arith.constant 0 : i32
    %dma_start3A_53 = tpu.memref_slice %arg4[%dma_start3A_52, %mul3A_48] : memref<1024x100000xf32, #tpu.memory_space<any>> -> memref<1024x256xf32, #tpu.memory_space<any>>
    tpu.enqueue_dma source(%arg6 : memref<1024x256xf32, #tpu.memory_space<vmem>>) target(%dma_start3A_53 : memref<1024x256xf32, #tpu.memory_space<any>>) target_semaphore(%dma_start3A_51 : memref<!tpu.dma_semaphore, #tpu.memory_space<semaphore_mem>>) {priority = 1 : i32}
    %gt3A_54 = arith.constant 0 : i32
    %gt3A_55 = arith.cmpi sgt, %arg0, %gt3A_54 : i32
    %convert_element_type3A_56 = arith.extui %gt3A_55 : i1 to i32
    %cond3A_57 = arith.constant 0 : i32
    %cond3A_58 = arith.cmpi ne, %convert_element_type3A_56, %cond3A_57 : i32
    scf.if %cond3A_58 {
      %sub3A_506 = arith.constant 1 : i32
      %sub3A_507 = arith.subi %arg0, %sub3A_506 : i32
      %mul3A_508 = arith.constant 16 : i32
      %mul3A_509 = arith.muli %sub3A_507, %mul3A_508 : i32
      %add3A_510 = arith.constant 2 : i32
      %add3A_511 = arith.addi %mul3A_509, %add3A_510 : i32
      %mul3A_512 = arith.constant 256 : i32
      %mul3A_513 = arith.muli %add3A_511, %mul3A_512 : i32
      %dma_wait3A = arith.constant 2 : i32
      %dma_wait3A_514 = tpu.memref_slice %arg21[%dma_wait3A] : memref<16x!tpu.dma_semaphore, #tpu.memory_space<semaphore_mem>> -> memref<1x!tpu.dma_semaphore, #tpu.memory_space<semaphore_mem>>
      %dma_wait3A_515 = tpu.memref_squeeze %dma_wait3A_514 : memref<1x!tpu.dma_semaphore, #tpu.memory_space<semaphore_mem>> -> memref<!tpu.dma_semaphore, #tpu.memory_space<semaphore_mem>>
      %dma_wait3A_516 = arith.constant 0 : i32
      %dma_wait3A_517 = tpu.memref_slice %arg4[%dma_wait3A_516, %mul3A_513] : memref<1024x100000xf32, #tpu.memory_space<any>> -> memref<1024x256xf32, #tpu.memory_space<any>>
      tpu.wait_dma2 semaphore(%dma_wait3A_515 : memref<!tpu.dma_semaphore, #tpu.memory_space<semaphore_mem>>) src(%arg7 : memref<1024x256xf32, #tpu.memory_space<vmem>>) dst(%dma_wait3A_517 : memref<1024x256xf32, #tpu.memory_space<any>>)
    } else {
    }
    %get3A_59 = arith.constant 0 : index
    %get3A_60 = arith.constant 0 : index
    %get3A_61 = vector.load %arg1[%get3A_59, %get3A_60] : memref<1024x64xbf16, #tpu.memory_space<vmem>>, vector<1024x64xbf16>
    %get3A_62 = arith.constant 512 : index
    %get3A_63 = arith.constant 0 : index
    %get3A_64 = vector.load %arg2[%get3A_62, %get3A_63] : memref<4096x64xbf16, #tpu.memory_space<vmem>>, vector<256x64xbf16>
    %dot_general3A_65 = arith.constant dense<0.000000e+00> : vector<1024x256xf32>
    %dot_general3A_66 = tpu.matmul %get3A_61, %get3A_64, %dot_general3A_65 {dimension_numbers = #tpu.dot_dimension_numbers<[1], [1], [0], [0], [0, 0, 1, 0], [], []>, transpose_lhs_hint = false} : vector<1024x64xbf16>, vector<256x64xbf16>, vector<1024x256xf32> -> vector<1024x256xf32>
    %get3A_67 = arith.constant 0 : index
    %get3A_68 = arith.constant 0 : index
    %get3A_69 = vector.load %arg3[%get3A_67, %get3A_68] : memref<1024x1xf32, #tpu.memory_space<vmem>>, vector<1024x1xf32>
    %sub3A_70 = vector.broadcast %get3A_69 : vector<1024x1xf32> to vector<1024x256xf32>
    %sub3A_71 = arith.subf %dot_general3A_66, %sub3A_70 : vector<1024x256xf32>
    %swap3A_72 = arith.constant 0 : index
    %swap3A_73 = arith.constant 0 : index
    %swap3A_74 = vector.load %arg7[%swap3A_72, %swap3A_73] : memref<1024x256xf32, #tpu.memory_space<vmem>>, vector<1024x256xf32>
    tpu.vector_store %arg7[%swap3A_72, %swap3A_73], %sub3A_71 {strides = array<i32>} : memref<1024x256xf32, #tpu.memory_space<vmem>>, vector<1024x256xf32>,
    %mul3A_75 = arith.constant 16 : i32
    %mul3A_76 = arith.muli %arg0, %mul3A_75 : i32
    %add3A_77 = arith.constant 2 : i32
    %add3A_78 = arith.addi %mul3A_76, %add3A_77 : i32
    %mul3A_79 = arith.constant 256 : i32
    %mul3A_80 = arith.muli %add3A_78, %mul3A_79 : i32
    %dma_start3A_81 = arith.constant 2 : i32
    %dma_start3A_82 = tpu.memref_slice %arg21[%dma_start3A_81] : memref<16x!tpu.dma_semaphore, #tpu.memory_space<semaphore_mem>> -> memref<1x!tpu.dma_semaphore, #tpu.memory_space<semaphore_mem>>
    %dma_start3A_83 = tpu.memref_squeeze %dma_start3A_82 : memref<1x!tpu.dma_semaphore, #tpu.memory_space<semaphore_mem>> -> memref<!tpu.dma_semaphore, #tpu.memory_space<semaphore_mem>>
    %dma_start3A_84 = arith.constant 0 : i32
    %dma_start3A_85 = tpu.memref_slice %arg4[%dma_start3A_84, %mul3A_80] : memref<1024x100000xf32, #tpu.memory_space<any>> -> memref<1024x256xf32, #tpu.memory_space<any>>
    tpu.enqueue_dma source(%arg7 : memref<1024x256xf32, #tpu.memory_space<vmem>>) target(%dma_start3A_85 : memref<1024x256xf32, #tpu.memory_space<any>>) target_semaphore(%dma_start3A_83 : memref<!tpu.dma_semaphore, #tpu.memory_space<semaphore_mem>>)
    %gt3A_86 = arith.constant 0 : i32
    %gt3A_87 = arith.cmpi sgt, %arg0, %gt3A_86 : i32
    %convert_element_type3A_88 = arith.extui %gt3A_87 : i1 to i32
    %cond3A_89 = arith.constant 0 : i32
    %cond3A_90 = arith.cmpi ne, %convert_element_type3A_88, %cond3A_89 : i32
    scf.if %cond3A_90 {
      %sub3A_506 = arith.constant 1 : i32
      %sub3A_507 = arith.subi %arg0, %sub3A_506 : i32
      %mul3A_508 = arith.constant 16 : i32
      %mul3A_509 = arith.muli %sub3A_507, %mul3A_508 : i32
      %add3A_510 = arith.constant 3 : i32
      %add3A_511 = arith.addi %mul3A_509, %add3A_510 : i32
      %mul3A_512 = arith.constant 256 : i32
      %mul3A_513 = arith.muli %add3A_511, %mul3A_512 : i32
      %dma_wait3A = arith.constant 3 : i32
      %dma_wait3A_514 = tpu.memref_slice %arg21[%dma_wait3A] : memref<16x!tpu.dma_semaphore, #tpu.memory_space<semaphore_mem>> -> memref<1x!tpu.dma_semaphore, #tpu.memory_space<semaphore_mem>>
      %dma_wait3A_515 = tpu.memref_squeeze %dma_wait3A_514 : memref<1x!tpu.dma_semaphore, #tpu.memory_space<semaphore_mem>> -> memref<!tpu.dma_semaphore, #tpu.memory_space<semaphore_mem>>
      %dma_wait3A_516 = arith.constant 0 : i32
      %dma_wait3A_517 = tpu.memref_slice %arg4[%dma_wait3A_516, %mul3A_513] : memref<1024x100000xf32, #tpu.memory_space<any>> -> memref<1024x256xf32, #tpu.memory_space<any>>
      tpu.wait_dma2 semaphore(%dma_wait3A_515 : memref<!tpu.dma_semaphore, #tpu.memory_space<semaphore_mem>>) src(%arg8 : memref<1024x256xf32, #tpu.memory_space<vmem>>) dst(%dma_wait3A_517 : memref<1024x256xf32, #tpu.memory_space<any>>)
    } else {
    }
    %get3A_91 = arith.constant 0 : index
    %get3A_92 = arith.constant 0 : index
    %get3A_93 = vector.load %arg1[%get3A_91, %get3A_92] : memref<1024x64xbf16, #tpu.memory_space<vmem>>, vector<1024x64xbf16>
    %get3A_94 = arith.constant 768 : index
    %get3A_95 = arith.constant 0 : index
    %get3A_96 = vector.load %arg2[%get3A_94, %get3A_95] : memref<4096x64xbf16, #tpu.memory_space<vmem>>, vector<256x64xbf16>
    %dot_general3A_97 = arith.constant dense<0.000000e+00> : vector<1024x256xf32>
    %dot_general3A_98 = tpu.matmul %get3A_93, %get3A_96, %dot_general3A_97 {dimension_numbers = #tpu.dot_dimension_numbers<[1], [1], [0], [0], [0, 0, 1, 0], [], []>, transpose_lhs_hint = false} : vector<1024x64xbf16>, vector<256x64xbf16>, vector<1024x256xf32> -> vector<1024x256xf32>
    %get3A_99 = arith.constant 0 : index
    %get3A_100 = arith.constant 0 : index
    %get3A_101 = vector.load %arg3[%get3A_99, %get3A_100] : memref<1024x1xf32, #tpu.memory_space<vmem>>, vector<1024x1xf32>
    %sub3A_102 = vector.broadcast %get3A_101 : vector<1024x1xf32> to vector<1024x256xf32>
    %sub3A_103 = arith.subf %dot_general3A_98, %sub3A_102 : vector<1024x256xf32>
    %swap3A_104 = arith.constant 0 : index
    %swap3A_105 = arith.constant 0 : index
    %swap3A_106 = vector.load %arg8[%swap3A_104, %swap3A_105] : memref<1024x256xf32, #tpu.memory_space<vmem>>, vector<1024x256xf32>
    tpu.vector_store %arg8[%swap3A_104, %swap3A_105], %sub3A_103 {strides = array<i32>} : memref<1024x256xf32, #tpu.memory_space<vmem>>, vector<1024x256xf32>,
    %mul3A_107 = arith.constant 16 : i32
    %mul3A_108 = arith.muli %arg0, %mul3A_107 : i32
    %add3A_109 = arith.constant 3 : i32
    %add3A_110 = arith.addi %mul3A_108, %add3A_109 : i32
    %mul3A_111 = arith.constant 256 : i32
    %mul3A_112 = arith.muli %add3A_110, %mul3A_111 : i32
    %dma_start3A_113 = arith.constant 3 : i32
    %dma_start3A_114 = tpu.memref_slice %arg21[%dma_start3A_113] : memref<16x!tpu.dma_semaphore, #tpu.memory_space<semaphore_mem>> -> memref<1x!tpu.dma_semaphore, #tpu.memory_space<semaphore_mem>>
    %dma_start3A_115 = tpu.memref_squeeze %dma_start3A_114 : memref<1x!tpu.dma_semaphore, #tpu.memory_space<semaphore_mem>> -> memref<!tpu.dma_semaphore, #tpu.memory_space<semaphore_mem>>
    %dma_start3A_116 = arith.constant 0 : i32
    %dma_start3A_117 = tpu.memref_slice %arg4[%dma_start3A_116, %mul3A_112] : memref<1024x100000xf32, #tpu.memory_space<any>> -> memref<1024x256xf32, #tpu.memory_space<any>>
    tpu.enqueue_dma source(%arg8 : memref<1024x256xf32, #tpu.memory_space<vmem>>) target(%dma_start3A_117 : memref<1024x256xf32, #tpu.memory_space<any>>) target_semaphore(%dma_start3A_115 : memref<!tpu.dma_semaphore, #tpu.memory_space<semaphore_mem>>) {priority = 1 : i32}
    %gt3A_118 = arith.constant 0 : i32
    %gt3A_119 = arith.cmpi sgt, %arg0, %gt3A_118 : i32
    %convert_element_type3A_120 = arith.extui %gt3A_119 : i1 to i32
    %cond3A_121 = arith.constant 0 : i32
    %cond3A_122 = arith.cmpi ne, %convert_element_type3A_120, %cond3A_121 : i32
    scf.if %cond3A_122 {
      %sub3A_506 = arith.constant 1 : i32
      %sub3A_507 = arith.subi %arg0, %sub3A_506 : i32
      %mul3A_508 = arith.constant 16 : i32
      %mul3A_509 = arith.muli %sub3A_507, %mul3A_508 : i32
      %add3A_510 = arith.constant 4 : i32
      %add3A_511 = arith.addi %mul3A_509, %add3A_510 : i32
      %mul3A_512 = arith.constant 256 : i32
      %mul3A_513 = arith.muli %add3A_511, %mul3A_512 : i32
      %dma_wait3A = arith.constant 4 : i32
      %dma_wait3A_514 = tpu.memref_slice %arg21[%dma_wait3A] : memref<16x!tpu.dma_semaphore, #tpu.memory_space<semaphore_mem>> -> memref<1x!tpu.dma_semaphore, #tpu.memory_space<semaphore_mem>>
      %dma_wait3A_515 = tpu.memref_squeeze %dma_wait3A_514 : memref<1x!tpu.dma_semaphore, #tpu.memory_space<semaphore_mem>> -> memref<!tpu.dma_semaphore, #tpu.memory_space<semaphore_mem>>
      %dma_wait3A_516 = arith.constant 0 : i32
      %dma_wait3A_517 = tpu.memref_slice %arg4[%dma_wait3A_516, %mul3A_513] : memref<1024x100000xf32, #tpu.memory_space<any>> -> memref<1024x256xf32, #tpu.memory_space<any>>
      tpu.wait_dma2 semaphore(%dma_wait3A_515 : memref<!tpu.dma_semaphore, #tpu.memory_space<semaphore_mem>>) src(%arg9 : memref<1024x256xf32, #tpu.memory_space<vmem>>) dst(%dma_wait3A_517 : memref<1024x256xf32, #tpu.memory_space<any>>)
    } else {
    }
    %get3A_123 = arith.constant 0 : index
    %get3A_124 = arith.constant 0 : index
    %get3A_125 = vector.load %arg1[%get3A_123, %get3A_124] : memref<1024x64xbf16, #tpu.memory_space<vmem>>, vector<1024x64xbf16>
    %get3A_126 = arith.constant 1024 : index
    %get3A_127 = arith.constant 0 : index
    %get3A_128 = vector.load %arg2[%get3A_126, %get3A_127] : memref<4096x64xbf16, #tpu.memory_space<vmem>>, vector<256x64xbf16>
    %dot_general3A_129 = arith.constant dense<0.000000e+00> : vector<1024x256xf32>
    %dot_general3A_130 = tpu.matmul %get3A_125, %get3A_128, %dot_general3A_129 {dimension_numbers = #tpu.dot_dimension_numbers<[1], [1], [0], [0], [0, 0, 1, 0], [], []>, transpose_lhs_hint = false} : vector<1024x64xbf16>, vector<256x64xbf16>, vector<1024x256xf32> -> vector<1024x256xf32>
    %get3A_131 = arith.constant 0 : index
    %get3A_132 = arith.constant 0 : index
    %get3A_133 = vector.load %arg3[%get3A_131, %get3A_132] : memref<1024x1xf32, #tpu.memory_space<vmem>>, vector<1024x1xf32>
    %sub3A_134 = vector.broadcast %get3A_133 : vector<1024x1xf32> to vector<1024x256xf32>
    %sub3A_135 = arith.subf %dot_general3A_130, %sub3A_134 : vector<1024x256xf32>
    %swap3A_136 = arith.constant 0 : index
    %swap3A_137 = arith.constant 0 : index
    %swap3A_138 = vector.load %arg9[%swap3A_136, %swap3A_137] : memref<1024x256xf32, #tpu.memory_space<vmem>>, vector<1024x256xf32>
    tpu.vector_store %arg9[%swap3A_136, %swap3A_137], %sub3A_135 {strides = array<i32>} : memref<1024x256xf32, #tpu.memory_space<vmem>>, vector<1024x256xf32>,
    %mul3A_139 = arith.constant 16 : i32
    %mul3A_140 = arith.muli %arg0, %mul3A_139 : i32
    %add3A_141 = arith.constant 4 : i32
    %add3A_142 = arith.addi %mul3A_140, %add3A_141 : i32
    %mul3A_143 = arith.constant 256 : i32
    %mul3A_144 = arith.muli %add3A_142, %mul3A_143 : i32
    %dma_start3A_145 = arith.constant 4 : i32
    %dma_start3A_146 = tpu.memref_slice %arg21[%dma_start3A_145] : memref<16x!tpu.dma_semaphore, #tpu.memory_space<semaphore_mem>> -> memref<1x!tpu.dma_semaphore, #tpu.memory_space<semaphore_mem>>
    %dma_start3A_147 = tpu.memref_squeeze %dma_start3A_146 : memref<1x!tpu.dma_semaphore, #tpu.memory_space<semaphore_mem>> -> memref<!tpu.dma_semaphore, #tpu.memory_space<semaphore_mem>>
    %dma_start3A_148 = arith.constant 0 : i32
    %dma_start3A_149 = tpu.memref_slice %arg4[%dma_start3A_148, %mul3A_144] : memref<1024x100000xf32, #tpu.memory_space<any>> -> memref<1024x256xf32, #tpu.memory_space<any>>
    tpu.enqueue_dma source(%arg9 : memref<1024x256xf32, #tpu.memory_space<vmem>>) target(%dma_start3A_149 : memref<1024x256xf32, #tpu.memory_space<any>>) target_semaphore(%dma_start3A_147 : memref<!tpu.dma_semaphore, #tpu.memory_space<semaphore_mem>>)
    %gt3A_150 = arith.constant 0 : i32
    %gt3A_151 = arith.cmpi sgt, %arg0, %gt3A_150 : i32
    %convert_element_type3A_152 = arith.extui %gt3A_151 : i1 to i32
    %cond3A_153 = arith.constant 0 : i32
    %cond3A_154 = arith.cmpi ne, %convert_element_type3A_152, %cond3A_153 : i32
    scf.if %cond3A_154 {
      %sub3A_506 = arith.constant 1 : i32
      %sub3A_507 = arith.subi %arg0, %sub3A_506 : i32
      %mul3A_508 = arith.constant 16 : i32
      %mul3A_509 = arith.muli %sub3A_507, %mul3A_508 : i32
      %add3A_510 = arith.constant 5 : i32
      %add3A_511 = arith.addi %mul3A_509, %add3A_510 : i32
      %mul3A_512 = arith.constant 256 : i32
      %mul3A_513 = arith.muli %add3A_511, %mul3A_512 : i32
      %dma_wait3A = arith.constant 5 : i32
      %dma_wait3A_514 = tpu.memref_slice %arg21[%dma_wait3A] : memref<16x!tpu.dma_semaphore, #tpu.memory_space<semaphore_mem>> -> memref<1x!tpu.dma_semaphore, #tpu.memory_space<semaphore_mem>>
      %dma_wait3A_515 = tpu.memref_squeeze %dma_wait3A_514 : memref<1x!tpu.dma_semaphore, #tpu.memory_space<semaphore_mem>> -> memref<!tpu.dma_semaphore, #tpu.memory_space<semaphore_mem>>
      %dma_wait3A_516 = arith.constant 0 : i32
      %dma_wait3A_517 = tpu.memref_slice %arg4[%dma_wait3A_516, %mul3A_513] : memref<1024x100000xf32, #tpu.memory_space<any>> -> memref<1024x256xf32, #tpu.memory_space<any>>
      tpu.wait_dma2 semaphore(%dma_wait3A_515 : memref<!tpu.dma_semaphore, #tpu.memory_space<semaphore_mem>>) src(%arg10 : memref<1024x256xf32, #tpu.memory_space<vmem>>) dst(%dma_wait3A_517 : memref<1024x256xf32, #tpu.memory_space<any>>)
    } else {
    }
    %get3A_155 = arith.constant 0 : index
    %get3A_156 = arith.constant 0 : index
    %get3A_157 = vector.load %arg1[%get3A_155, %get3A_156] : memref<1024x64xbf16, #tpu.memory_space<vmem>>, vector<1024x64xbf16>
    %get3A_158 = arith.constant 1280 : index
    %get3A_159 = arith.constant 0 : index
    %get3A_160 = vector.load %arg2[%get3A_158, %get3A_159] : memref<4096x64xbf16, #tpu.memory_space<vmem>>, vector<256x64xbf16>
    %dot_general3A_161 = arith.constant dense<0.000000e+00> : vector<1024x256xf32>
    %dot_general3A_162 = tpu.matmul %get3A_157, %get3A_160, %dot_general3A_161 {dimension_numbers = #tpu.dot_dimension_numbers<[1], [1], [0], [0], [0, 0, 1, 0], [], []>, transpose_lhs_hint = false} : vector<1024x64xbf16>, vector<256x64xbf16>, vector<1024x256xf32> -> vector<1024x256xf32>
    %get3A_163 = arith.constant 0 : index
    %get3A_164 = arith.constant 0 : index
    %get3A_165 = vector.load %arg3[%get3A_163, %get3A_164] : memref<1024x1xf32, #tpu.memory_space<vmem>>, vector<1024x1xf32>
    %sub3A_166 = vector.broadcast %get3A_165 : vector<1024x1xf32> to vector<1024x256xf32>
    %sub3A_167 = arith.subf %dot_general3A_162, %sub3A_166 : vector<1024x256xf32>
    %swap3A_168 = arith.constant 0 : index
    %swap3A_169 = arith.constant 0 : index
    %swap3A_170 = vector.load %arg10[%swap3A_168, %swap3A_169] : memref<1024x256xf32, #tpu.memory_space<vmem>>, vector<1024x256xf32>
    tpu.vector_store %arg10[%swap3A_168, %swap3A_169], %sub3A_167 {strides = array<i32>} : memref<1024x256xf32, #tpu.memory_space<vmem>>, vector<1024x256xf32>,
    %mul3A_171 = arith.constant 16 : i32
    %mul3A_172 = arith.muli %arg0, %mul3A_171 : i32
    %add3A_173 = arith.constant 5 : i32
    %add3A_174 = arith.addi %mul3A_172, %add3A_173 : i32
    %mul3A_175 = arith.constant 256 : i32
    %mul3A_176 = arith.muli %add3A_174, %mul3A_175 : i32
    %dma_start3A_177 = arith.constant 5 : i32
    %dma_start3A_178 = tpu.memref_slice %arg21[%dma_start3A_177] : memref<16x!tpu.dma_semaphore, #tpu.memory_space<semaphore_mem>> -> memref<1x!tpu.dma_semaphore, #tpu.memory_space<semaphore_mem>>
    %dma_start3A_179 = tpu.memref_squeeze %dma_start3A_178 : memref<1x!tpu.dma_semaphore, #tpu.memory_space<semaphore_mem>> -> memref<!tpu.dma_semaphore, #tpu.memory_space<semaphore_mem>>
    %dma_start3A_180 = arith.constant 0 : i32
    %dma_start3A_181 = tpu.memref_slice %arg4[%dma_start3A_180, %mul3A_176] : memref<1024x100000xf32, #tpu.memory_space<any>> -> memref<1024x256xf32, #tpu.memory_space<any>>
    tpu.enqueue_dma source(%arg10 : memref<1024x256xf32, #tpu.memory_space<vmem>>) target(%dma_start3A_181 : memref<1024x256xf32, #tpu.memory_space<any>>) target_semaphore(%dma_start3A_179 : memref<!tpu.dma_semaphore, #tpu.memory_space<semaphore_mem>>) {priority = 1 : i32}
    %gt3A_182 = arith.constant 0 : i32
    %gt3A_183 = arith.cmpi sgt, %arg0, %gt3A_182 : i32
    %convert_element_type3A_184 = arith.extui %gt3A_183 : i1 to i32
    %cond3A_185 = arith.constant 0 : i32
    %cond3A_186 = arith.cmpi ne, %convert_element_type3A_184, %cond3A_185 : i32
    scf.if %cond3A_186 {
      %sub3A_506 = arith.constant 1 : i32
      %sub3A_507 = arith.subi %arg0, %sub3A_506 : i32
      %mul3A_508 = arith.constant 16 : i32
      %mul3A_509 = arith.muli %sub3A_507, %mul3A_508 : i32
      %add3A_510 = arith.constant 6 : i32
      %add3A_511 = arith.addi %mul3A_509, %add3A_510 : i32
      %mul3A_512 = arith.constant 256 : i32
      %mul3A_513 = arith.muli %add3A_511, %mul3A_512 : i32
      %dma_wait3A = arith.constant 6 : i32
      %dma_wait3A_514 = tpu.memref_slice %arg21[%dma_wait3A] : memref<16x!tpu.dma_semaphore, #tpu.memory_space<semaphore_mem>> -> memref<1x!tpu.dma_semaphore, #tpu.memory_space<semaphore_mem>>
      %dma_wait3A_515 = tpu.memref_squeeze %dma_wait3A_514 : memref<1x!tpu.dma_semaphore, #tpu.memory_space<semaphore_mem>> -> memref<!tpu.dma_semaphore, #tpu.memory_space<semaphore_mem>>
      %dma_wait3A_516 = arith.constant 0 : i32
      %dma_wait3A_517 = tpu.memref_slice %arg4[%dma_wait3A_516, %mul3A_513] : memref<1024x100000xf32, #tpu.memory_space<any>> -> memref<1024x256xf32, #tpu.memory_space<any>>
      tpu.wait_dma2 semaphore(%dma_wait3A_515 : memref<!tpu.dma_semaphore, #tpu.memory_space<semaphore_mem>>) src(%arg11 : memref<1024x256xf32, #tpu.memory_space<vmem>>) dst(%dma_wait3A_517 : memref<1024x256xf32, #tpu.memory_space<any>>)
    } else {
    }
    %get3A_187 = arith.constant 0 : index
    %get3A_188 = arith.constant 0 : index
    %get3A_189 = vector.load %arg1[%get3A_187, %get3A_188] : memref<1024x64xbf16, #tpu.memory_space<vmem>>, vector<1024x64xbf16>
    %get3A_190 = arith.constant 1536 : index
    %get3A_191 = arith.constant 0 : index
    %get3A_192 = vector.load %arg2[%get3A_190, %get3A_191] : memref<4096x64xbf16, #tpu.memory_space<vmem>>, vector<256x64xbf16>
    %dot_general3A_193 = arith.constant dense<0.000000e+00> : vector<1024x256xf32>
    %dot_general3A_194 = tpu.matmul %get3A_189, %get3A_192, %dot_general3A_193 {dimension_numbers = #tpu.dot_dimension_numbers<[1], [1], [0], [0], [0, 0, 1, 0], [], []>, transpose_lhs_hint = false} : vector<1024x64xbf16>, vector<256x64xbf16>, vector<1024x256xf32> -> vector<1024x256xf32>
    %get3A_195 = arith.constant 0 : index
    %get3A_196 = arith.constant 0 : index
    %get3A_197 = vector.load %arg3[%get3A_195, %get3A_196] : memref<1024x1xf32, #tpu.memory_space<vmem>>, vector<1024x1xf32>
    %sub3A_198 = vector.broadcast %get3A_197 : vector<1024x1xf32> to vector<1024x256xf32>
    %sub3A_199 = arith.subf %dot_general3A_194, %sub3A_198 : vector<1024x256xf32>
    %swap3A_200 = arith.constant 0 : index
    %swap3A_201 = arith.constant 0 : index
    %swap3A_202 = vector.load %arg11[%swap3A_200, %swap3A_201] : memref<1024x256xf32, #tpu.memory_space<vmem>>, vector<1024x256xf32>
    tpu.vector_store %arg11[%swap3A_200, %swap3A_201], %sub3A_199 {strides = array<i32>} : memref<1024x256xf32, #tpu.memory_space<vmem>>, vector<1024x256xf32>,
    %mul3A_203 = arith.constant 16 : i32
    %mul3A_204 = arith.muli %arg0, %mul3A_203 : i32
    %add3A_205 = arith.constant 6 : i32
    %add3A_206 = arith.addi %mul3A_204, %add3A_205 : i32
    %mul3A_207 = arith.constant 256 : i32
    %mul3A_208 = arith.muli %add3A_206, %mul3A_207 : i32
    %dma_start3A_209 = arith.constant 6 : i32
    %dma_start3A_210 = tpu.memref_slice %arg21[%dma_start3A_209] : memref<16x!tpu.dma_semaphore, #tpu.memory_space<semaphore_mem>> -> memref<1x!tpu.dma_semaphore, #tpu.memory_space<semaphore_mem>>
    %dma_start3A_211 = tpu.memref_squeeze %dma_start3A_210 : memref<1x!tpu.dma_semaphore, #tpu.memory_space<semaphore_mem>> -> memref<!tpu.dma_semaphore, #tpu.memory_space<semaphore_mem>>
    %dma_start3A_212 = arith.constant 0 : i32
    %dma_start3A_213 = tpu.memref_slice %arg4[%dma_start3A_212, %mul3A_208] : memref<1024x100000xf32, #tpu.memory_space<any>> -> memref<1024x256xf32, #tpu.memory_space<any>>
    tpu.enqueue_dma source(%arg11 : memref<1024x256xf32, #tpu.memory_space<vmem>>) target(%dma_start3A_213 : memref<1024x256xf32, #tpu.memory_space<any>>) target_semaphore(%dma_start3A_211 : memref<!tpu.dma_semaphore, #tpu.memory_space<semaphore_mem>>)
    %gt3A_214 = arith.constant 0 : i32
    %gt3A_215 = arith.cmpi sgt, %arg0, %gt3A_214 : i32
    %convert_element_type3A_216 = arith.extui %gt3A_215 : i1 to i32
    %cond3A_217 = arith.constant 0 : i32
    %cond3A_218 = arith.cmpi ne, %convert_element_type3A_216, %cond3A_217 : i32
    scf.if %cond3A_218 {
      %sub3A_506 = arith.constant 1 : i32
      %sub3A_507 = arith.subi %arg0, %sub3A_506 : i32
      %mul3A_508 = arith.constant 16 : i32
      %mul3A_509 = arith.muli %sub3A_507, %mul3A_508 : i32
      %add3A_510 = arith.constant 7 : i32
      %add3A_511 = arith.addi %mul3A_509, %add3A_510 : i32
      %mul3A_512 = arith.constant 256 : i32
      %mul3A_513 = arith.muli %add3A_511, %mul3A_512 : i32
      %dma_wait3A = arith.constant 7 : i32
      %dma_wait3A_514 = tpu.memref_slice %arg21[%dma_wait3A] : memref<16x!tpu.dma_semaphore, #tpu.memory_space<semaphore_mem>> -> memref<1x!tpu.dma_semaphore, #tpu.memory_space<semaphore_mem>>
      %dma_wait3A_515 = tpu.memref_squeeze %dma_wait3A_514 : memref<1x!tpu.dma_semaphore, #tpu.memory_space<semaphore_mem>> -> memref<!tpu.dma_semaphore, #tpu.memory_space<semaphore_mem>>
      %dma_wait3A_516 = arith.constant 0 : i32
      %dma_wait3A_517 = tpu.memref_slice %arg4[%dma_wait3A_516, %mul3A_513] : memref<1024x100000xf32, #tpu.memory_space<any>> -> memref<1024x256xf32, #tpu.memory_space<any>>
      tpu.wait_dma2 semaphore(%dma_wait3A_515 : memref<!tpu.dma_semaphore, #tpu.memory_space<semaphore_mem>>) src(%arg12 : memref<1024x256xf32, #tpu.memory_space<vmem>>) dst(%dma_wait3A_517 : memref<1024x256xf32, #tpu.memory_space<any>>)
    } else {
    }
    %get3A_219 = arith.constant 0 : index
    %get3A_220 = arith.constant 0 : index
    %get3A_221 = vector.load %arg1[%get3A_219, %get3A_220] : memref<1024x64xbf16, #tpu.memory_space<vmem>>, vector<1024x64xbf16>
    %get3A_222 = arith.constant 1792 : index
    %get3A_223 = arith.constant 0 : index
    %get3A_224 = vector.load %arg2[%get3A_222, %get3A_223] : memref<4096x64xbf16, #tpu.memory_space<vmem>>, vector<256x64xbf16>
    %dot_general3A_225 = arith.constant dense<0.000000e+00> : vector<1024x256xf32>
    %dot_general3A_226 = tpu.matmul %get3A_221, %get3A_224, %dot_general3A_225 {dimension_numbers = #tpu.dot_dimension_numbers<[1], [1], [0], [0], [0, 0, 1, 0], [], []>, transpose_lhs_hint = false} : vector<1024x64xbf16>, vector<256x64xbf16>, vector<1024x256xf32> -> vector<1024x256xf32>
    %get3A_227 = arith.constant 0 : index
    %get3A_228 = arith.constant 0 : index
    %get3A_229 = vector.load %arg3[%get3A_227, %get3A_228] : memref<1024x1xf32, #tpu.memory_space<vmem>>, vector<1024x1xf32>
    %sub3A_230 = vector.broadcast %get3A_229 : vector<1024x1xf32> to vector<1024x256xf32>
    %sub3A_231 = arith.subf %dot_general3A_226, %sub3A_230 : vector<1024x256xf32>
    %swap3A_232 = arith.constant 0 : index
    %swap3A_233 = arith.constant 0 : index
    %swap3A_234 = vector.load %arg12[%swap3A_232, %swap3A_233] : memref<1024x256xf32, #tpu.memory_space<vmem>>, vector<1024x256xf32>
    tpu.vector_store %arg12[%swap3A_232, %swap3A_233], %sub3A_231 {strides = array<i32>} : memref<1024x256xf32, #tpu.memory_space<vmem>>, vector<1024x256xf32>,
    %mul3A_235 = arith.constant 16 : i32
    %mul3A_236 = arith.muli %arg0, %mul3A_235 : i32
    %add3A_237 = arith.constant 7 : i32
    %add3A_238 = arith.addi %mul3A_236, %add3A_237 : i32
    %mul3A_239 = arith.constant 256 : i32
    %mul3A_240 = arith.muli %add3A_238, %mul3A_239 : i32
    %dma_start3A_241 = arith.constant 7 : i32
    %dma_start3A_242 = tpu.memref_slice %arg21[%dma_start3A_241] : memref<16x!tpu.dma_semaphore, #tpu.memory_space<semaphore_mem>> -> memref<1x!tpu.dma_semaphore, #tpu.memory_space<semaphore_mem>>
    %dma_start3A_243 = tpu.memref_squeeze %dma_start3A_242 : memref<1x!tpu.dma_semaphore, #tpu.memory_space<semaphore_mem>> -> memref<!tpu.dma_semaphore, #tpu.memory_space<semaphore_mem>>
    %dma_start3A_244 = arith.constant 0 : i32
    %dma_start3A_245 = tpu.memref_slice %arg4[%dma_start3A_244, %mul3A_240] : memref<1024x100000xf32, #tpu.memory_space<any>> -> memref<1024x256xf32, #tpu.memory_space<any>>
    tpu.enqueue_dma source(%arg12 : memref<1024x256xf32, #tpu.memory_space<vmem>>) target(%dma_start3A_245 : memref<1024x256xf32, #tpu.memory_space<any>>) target_semaphore(%dma_start3A_243 : memref<!tpu.dma_semaphore, #tpu.memory_space<semaphore_mem>>) {priority = 1 : i32}
    %gt3A_246 = arith.constant 0 : i32
    %gt3A_247 = arith.cmpi sgt, %arg0, %gt3A_246 : i32
    %convert_element_type3A_248 = arith.extui %gt3A_247 : i1 to i32
    %cond3A_249 = arith.constant 0 : i32
    %cond3A_250 = arith.cmpi ne, %convert_element_type3A_248, %cond3A_249 : i32
    scf.if %cond3A_250 {
      %sub3A_506 = arith.constant 1 : i32
      %sub3A_507 = arith.subi %arg0, %sub3A_506 : i32
      %mul3A_508 = arith.constant 16 : i32
      %mul3A_509 = arith.muli %sub3A_507, %mul3A_508 : i32
      %add3A_510 = arith.constant 8 : i32
      %add3A_511 = arith.addi %mul3A_509, %add3A_510 : i32
      %mul3A_512 = arith.constant 256 : i32
      %mul3A_513 = arith.muli %add3A_511, %mul3A_512 : i32
      %dma_wait3A = arith.constant 8 : i32
      %dma_wait3A_514 = tpu.memref_slice %arg21[%dma_wait3A] : memref<16x!tpu.dma_semaphore, #tpu.memory_space<semaphore_mem>> -> memref<1x!tpu.dma_semaphore, #tpu.memory_space<semaphore_mem>>
      %dma_wait3A_515 = tpu.memref_squeeze %dma_wait3A_514 : memref<1x!tpu.dma_semaphore, #tpu.memory_space<semaphore_mem>> -> memref<!tpu.dma_semaphore, #tpu.memory_space<semaphore_mem>>
      %dma_wait3A_516 = arith.constant 0 : i32
      %dma_wait3A_517 = tpu.memref_slice %arg4[%dma_wait3A_516, %mul3A_513] : memref<1024x100000xf32, #tpu.memory_space<any>> -> memref<1024x256xf32, #tpu.memory_space<any>>
      tpu.wait_dma2 semaphore(%dma_wait3A_515 : memref<!tpu.dma_semaphore, #tpu.memory_space<semaphore_mem>>) src(%arg13 : memref<1024x256xf32, #tpu.memory_space<vmem>>) dst(%dma_wait3A_517 : memref<1024x256xf32, #tpu.memory_space<any>>)
    } else {
    }
    %get3A_251 = arith.constant 0 : index
    %get3A_252 = arith.constant 0 : index
    %get3A_253 = vector.load %arg1[%get3A_251, %get3A_252] : memref<1024x64xbf16, #tpu.memory_space<vmem>>, vector<1024x64xbf16>
    %get3A_254 = arith.constant 2048 : index
    %get3A_255 = arith.constant 0 : index
    %get3A_256 = vector.load %arg2[%get3A_254, %get3A_255] : memref<4096x64xbf16, #tpu.memory_space<vmem>>, vector<256x64xbf16>
    %dot_general3A_257 = arith.constant dense<0.000000e+00> : vector<1024x256xf32>
    %dot_general3A_258 = tpu.matmul %get3A_253, %get3A_256, %dot_general3A_257 {dimension_numbers = #tpu.dot_dimension_numbers<[1], [1], [0], [0], [0, 0, 1, 0], [], []>, transpose_lhs_hint = false} : vector<1024x64xbf16>, vector<256x64xbf16>, vector<1024x256xf32> -> vector<1024x256xf32>
    %get3A_259 = arith.constant 0 : index
    %get3A_260 = arith.constant 0 : index
    %get3A_261 = vector.load %arg3[%get3A_259, %get3A_260] : memref<1024x1xf32, #tpu.memory_space<vmem>>, vector<1024x1xf32>
    %sub3A_262 = vector.broadcast %get3A_261 : vector<1024x1xf32> to vector<1024x256xf32>
    %sub3A_263 = arith.subf %dot_general3A_258, %sub3A_262 : vector<1024x256xf32>
    %swap3A_264 = arith.constant 0 : index
    %swap3A_265 = arith.constant 0 : index
    %swap3A_266 = vector.load %arg13[%swap3A_264, %swap3A_265] : memref<1024x256xf32, #tpu.memory_space<vmem>>, vector<1024x256xf32>
    tpu.vector_store %arg13[%swap3A_264, %swap3A_265], %sub3A_263 {strides = array<i32>} : memref<1024x256xf32, #tpu.memory_space<vmem>>, vector<1024x256xf32>,
    %mul3A_267 = arith.constant 16 : i32
    %mul3A_268 = arith.muli %arg0, %mul3A_267 : i32
    %add3A_269 = arith.constant 8 : i32
    %add3A_270 = arith.addi %mul3A_268, %add3A_269 : i32
    %mul3A_271 = arith.constant 256 : i32
    %mul3A_272 = arith.muli %add3A_270, %mul3A_271 : i32
    %dma_start3A_273 = arith.constant 8 : i32
    %dma_start3A_274 = tpu.memref_slice %arg21[%dma_start3A_273] : memref<16x!tpu.dma_semaphore, #tpu.memory_space<semaphore_mem>> -> memref<1x!tpu.dma_semaphore, #tpu.memory_space<semaphore_mem>>
    %dma_start3A_275 = tpu.memref_squeeze %dma_start3A_274 : memref<1x!tpu.dma_semaphore, #tpu.memory_space<semaphore_mem>> -> memref<!tpu.dma_semaphore, #tpu.memory_space<semaphore_mem>>
    %dma_start3A_276 = arith.constant 0 : i32
    %dma_start3A_277 = tpu.memref_slice %arg4[%dma_start3A_276, %mul3A_272] : memref<1024x100000xf32, #tpu.memory_space<any>> -> memref<1024x256xf32, #tpu.memory_space<any>>
    tpu.enqueue_dma source(%arg13 : memref<1024x256xf32, #tpu.memory_space<vmem>>) target(%dma_start3A_277 : memref<1024x256xf32, #tpu.memory_space<any>>) target_semaphore(%dma_start3A_275 : memref<!tpu.dma_semaphore, #tpu.memory_space<semaphore_mem>>)
    %gt3A_278 = arith.constant 0 : i32
    %gt3A_279 = arith.cmpi sgt, %arg0, %gt3A_278 : i32
    %convert_element_type3A_280 = arith.extui %gt3A_279 : i1 to i32
    %cond3A_281 = arith.constant 0 : i32
    %cond3A_282 = arith.cmpi ne, %convert_element_type3A_280, %cond3A_281 : i32
    scf.if %cond3A_282 {
      %sub3A_506 = arith.constant 1 : i32
      %sub3A_507 = arith.subi %arg0, %sub3A_506 : i32
      %mul3A_508 = arith.constant 16 : i32
      %mul3A_509 = arith.muli %sub3A_507, %mul3A_508 : i32
      %add3A_510 = arith.constant 9 : i32
      %add3A_511 = arith.addi %mul3A_509, %add3A_510 : i32
      %mul3A_512 = arith.constant 256 : i32
      %mul3A_513 = arith.muli %add3A_511, %mul3A_512 : i32
      %dma_wait3A = arith.constant 9 : i32
      %dma_wait3A_514 = tpu.memref_slice %arg21[%dma_wait3A] : memref<16x!tpu.dma_semaphore, #tpu.memory_space<semaphore_mem>> -> memref<1x!tpu.dma_semaphore, #tpu.memory_space<semaphore_mem>>
      %dma_wait3A_515 = tpu.memref_squeeze %dma_wait3A_514 : memref<1x!tpu.dma_semaphore, #tpu.memory_space<semaphore_mem>> -> memref<!tpu.dma_semaphore, #tpu.memory_space<semaphore_mem>>
      %dma_wait3A_516 = arith.constant 0 : i32
      %dma_wait3A_517 = tpu.memref_slice %arg4[%dma_wait3A_516, %mul3A_513] : memref<1024x100000xf32, #tpu.memory_space<any>> -> memref<1024x256xf32, #tpu.memory_space<any>>
      tpu.wait_dma2 semaphore(%dma_wait3A_515 : memref<!tpu.dma_semaphore, #tpu.memory_space<semaphore_mem>>) src(%arg14 : memref<1024x256xf32, #tpu.memory_space<vmem>>) dst(%dma_wait3A_517 : memref<1024x256xf32, #tpu.memory_space<any>>)
    } else {
    }
    %get3A_283 = arith.constant 0 : index
    %get3A_284 = arith.constant 0 : index
    %get3A_285 = vector.load %arg1[%get3A_283, %get3A_284] : memref<1024x64xbf16, #tpu.memory_space<vmem>>, vector<1024x64xbf16>
    %get3A_286 = arith.constant 2304 : index
    %get3A_287 = arith.constant 0 : index
    %get3A_288 = vector.load %arg2[%get3A_286, %get3A_287] : memref<4096x64xbf16, #tpu.memory_space<vmem>>, vector<256x64xbf16>
    %dot_general3A_289 = arith.constant dense<0.000000e+00> : vector<1024x256xf32>
    %dot_general3A_290 = tpu.matmul %get3A_285, %get3A_288, %dot_general3A_289 {dimension_numbers = #tpu.dot_dimension_numbers<[1], [1], [0], [0], [0, 0, 1, 0], [], []>, transpose_lhs_hint = false} : vector<1024x64xbf16>, vector<256x64xbf16>, vector<1024x256xf32> -> vector<1024x256xf32>
    %get3A_291 = arith.constant 0 : index
    %get3A_292 = arith.constant 0 : index
    %get3A_293 = vector.load %arg3[%get3A_291, %get3A_292] : memref<1024x1xf32, #tpu.memory_space<vmem>>, vector<1024x1xf32>
    %sub3A_294 = vector.broadcast %get3A_293 : vector<1024x1xf32> to vector<1024x256xf32>
    %sub3A_295 = arith.subf %dot_general3A_290, %sub3A_294 : vector<1024x256xf32>
    %swap3A_296 = arith.constant 0 : index
    %swap3A_297 = arith.constant 0 : index
    %swap3A_298 = vector.load %arg14[%swap3A_296, %swap3A_297] : memref<1024x256xf32, #tpu.memory_space<vmem>>, vector<1024x256xf32>
    tpu.vector_store %arg14[%swap3A_296, %swap3A_297], %sub3A_295 {strides = array<i32>} : memref<1024x256xf32, #tpu.memory_space<vmem>>, vector<1024x256xf32>,
    %mul3A_299 = arith.constant 16 : i32
    %mul3A_300 = arith.muli %arg0, %mul3A_299 : i32
    %add3A_301 = arith.constant 9 : i32
    %add3A_302 = arith.addi %mul3A_300, %add3A_301 : i32
    %mul3A_303 = arith.constant 256 : i32
    %mul3A_304 = arith.muli %add3A_302, %mul3A_303 : i32
    %dma_start3A_305 = arith.constant 9 : i32
    %dma_start3A_306 = tpu.memref_slice %arg21[%dma_start3A_305] : memref<16x!tpu.dma_semaphore, #tpu.memory_space<semaphore_mem>> -> memref<1x!tpu.dma_semaphore, #tpu.memory_space<semaphore_mem>>
    %dma_start3A_307 = tpu.memref_squeeze %dma_start3A_306 : memref<1x!tpu.dma_semaphore, #tpu.memory_space<semaphore_mem>> -> memref<!tpu.dma_semaphore, #tpu.memory_space<semaphore_mem>>
    %dma_start3A_308 = arith.constant 0 : i32
    %dma_start3A_309 = tpu.memref_slice %arg4[%dma_start3A_308, %mul3A_304] : memref<1024x100000xf32, #tpu.memory_space<any>> -> memref<1024x256xf32, #tpu.memory_space<any>>
    tpu.enqueue_dma source(%arg14 : memref<1024x256xf32, #tpu.memory_space<vmem>>) target(%dma_start3A_309 : memref<1024x256xf32, #tpu.memory_space<any>>) target_semaphore(%dma_start3A_307 : memref<!tpu.dma_semaphore, #tpu.memory_space<semaphore_mem>>) {priority = 1 : i32}
    %gt3A_310 = arith.constant 0 : i32
    %gt3A_311 = arith.cmpi sgt, %arg0, %gt3A_310 : i32
    %convert_element_type3A_312 = arith.extui %gt3A_311 : i1 to i32
    %cond3A_313 = arith.constant 0 : i32
    %cond3A_314 = arith.cmpi ne, %convert_element_type3A_312, %cond3A_313 : i32
    scf.if %cond3A_314 {
      %sub3A_506 = arith.constant 1 : i32
      %sub3A_507 = arith.subi %arg0, %sub3A_506 : i32
      %mul3A_508 = arith.constant 16 : i32
      %mul3A_509 = arith.muli %sub3A_507, %mul3A_508 : i32
      %add3A_510 = arith.constant 10 : i32
      %add3A_511 = arith.addi %mul3A_509, %add3A_510 : i32
      %mul3A_512 = arith.constant 256 : i32
      %mul3A_513 = arith.muli %add3A_511, %mul3A_512 : i32
      %dma_wait3A = arith.constant 10 : i32
      %dma_wait3A_514 = tpu.memref_slice %arg21[%dma_wait3A] : memref<16x!tpu.dma_semaphore, #tpu.memory_space<semaphore_mem>> -> memref<1x!tpu.dma_semaphore, #tpu.memory_space<semaphore_mem>>
      %dma_wait3A_515 = tpu.memref_squeeze %dma_wait3A_514 : memref<1x!tpu.dma_semaphore, #tpu.memory_space<semaphore_mem>> -> memref<!tpu.dma_semaphore, #tpu.memory_space<semaphore_mem>>
      %dma_wait3A_516 = arith.constant 0 : i32
      %dma_wait3A_517 = tpu.memref_slice %arg4[%dma_wait3A_516, %mul3A_513] : memref<1024x100000xf32, #tpu.memory_space<any>> -> memref<1024x256xf32, #tpu.memory_space<any>>
      tpu.wait_dma2 semaphore(%dma_wait3A_515 : memref<!tpu.dma_semaphore, #tpu.memory_space<semaphore_mem>>) src(%arg15 : memref<1024x256xf32, #tpu.memory_space<vmem>>) dst(%dma_wait3A_517 : memref<1024x256xf32, #tpu.memory_space<any>>)
    } else {
    }
    %get3A_315 = arith.constant 0 : index
    %get3A_316 = arith.constant 0 : index
    %get3A_317 = vector.load %arg1[%get3A_315, %get3A_316] : memref<1024x64xbf16, #tpu.memory_space<vmem>>, vector<1024x64xbf16>
    %get3A_318 = arith.constant 2560 : index
    %get3A_319 = arith.constant 0 : index
    %get3A_320 = vector.load %arg2[%get3A_318, %get3A_319] : memref<4096x64xbf16, #tpu.memory_space<vmem>>, vector<256x64xbf16>
    %dot_general3A_321 = arith.constant dense<0.000000e+00> : vector<1024x256xf32>
    %dot_general3A_322 = tpu.matmul %get3A_317, %get3A_320, %dot_general3A_321 {dimension_numbers = #tpu.dot_dimension_numbers<[1], [1], [0], [0], [0, 0, 1, 0], [], []>, transpose_lhs_hint = false} : vector<1024x64xbf16>, vector<256x64xbf16>, vector<1024x256xf32> -> vector<1024x256xf32>
    %get3A_323 = arith.constant 0 : index
    %get3A_324 = arith.constant 0 : index
    %get3A_325 = vector.load %arg3[%get3A_323, %get3A_324] : memref<1024x1xf32, #tpu.memory_space<vmem>>, vector<1024x1xf32>
    %sub3A_326 = vector.broadcast %get3A_325 : vector<1024x1xf32> to vector<1024x256xf32>
    %sub3A_327 = arith.subf %dot_general3A_322, %sub3A_326 : vector<1024x256xf32>
    %swap3A_328 = arith.constant 0 : index
    %swap3A_329 = arith.constant 0 : index
    %swap3A_330 = vector.load %arg15[%swap3A_328, %swap3A_329] : memref<1024x256xf32, #tpu.memory_space<vmem>>, vector<1024x256xf32>
    tpu.vector_store %arg15[%swap3A_328, %swap3A_329], %sub3A_327 {strides = array<i32>} : memref<1024x256xf32, #tpu.memory_space<vmem>>, vector<1024x256xf32>,
    %mul3A_331 = arith.constant 16 : i32
    %mul3A_332 = arith.muli %arg0, %mul3A_331 : i32
    %add3A_333 = arith.constant 10 : i32
    %add3A_334 = arith.addi %mul3A_332, %add3A_333 : i32
    %mul3A_335 = arith.constant 256 : i32
    %mul3A_336 = arith.muli %add3A_334, %mul3A_335 : i32
    %dma_start3A_337 = arith.constant 10 : i32
    %dma_start3A_338 = tpu.memref_slice %arg21[%dma_start3A_337] : memref<16x!tpu.dma_semaphore, #tpu.memory_space<semaphore_mem>> -> memref<1x!tpu.dma_semaphore, #tpu.memory_space<semaphore_mem>>
    %dma_start3A_339 = tpu.memref_squeeze %dma_start3A_338 : memref<1x!tpu.dma_semaphore, #tpu.memory_space<semaphore_mem>> -> memref<!tpu.dma_semaphore, #tpu.memory_space<semaphore_mem>>
    %dma_start3A_340 = arith.constant 0 : i32
    %dma_start3A_341 = tpu.memref_slice %arg4[%dma_start3A_340, %mul3A_336] : memref<1024x100000xf32, #tpu.memory_space<any>> -> memref<1024x256xf32, #tpu.memory_space<any>>
    tpu.enqueue_dma source(%arg15 : memref<1024x256xf32, #tpu.memory_space<vmem>>) target(%dma_start3A_341 : memref<1024x256xf32, #tpu.memory_space<any>>) target_semaphore(%dma_start3A_339 : memref<!tpu.dma_semaphore, #tpu.memory_space<semaphore_mem>>)
    %gt3A_342 = arith.constant 0 : i32
    %gt3A_343 = arith.cmpi sgt, %arg0, %gt3A_342 : i32
    %convert_element_type3A_344 = arith.extui %gt3A_343 : i1 to i32
    %cond3A_345 = arith.constant 0 : i32
    %cond3A_346 = arith.cmpi ne, %convert_element_type3A_344, %cond3A_345 : i32
    scf.if %cond3A_346 {
      %sub3A_506 = arith.constant 1 : i32
      %sub3A_507 = arith.subi %arg0, %sub3A_506 : i32
      %mul3A_508 = arith.constant 16 : i32
      %mul3A_509 = arith.muli %sub3A_507, %mul3A_508 : i32
      %add3A_510 = arith.constant 11 : i32
      %add3A_511 = arith.addi %mul3A_509, %add3A_510 : i32
      %mul3A_512 = arith.constant 256 : i32
      %mul3A_513 = arith.muli %add3A_511, %mul3A_512 : i32
      %dma_wait3A = arith.constant 11 : i32
      %dma_wait3A_514 = tpu.memref_slice %arg21[%dma_wait3A] : memref<16x!tpu.dma_semaphore, #tpu.memory_space<semaphore_mem>> -> memref<1x!tpu.dma_semaphore, #tpu.memory_space<semaphore_mem>>
      %dma_wait3A_515 = tpu.memref_squeeze %dma_wait3A_514 : memref<1x!tpu.dma_semaphore, #tpu.memory_space<semaphore_mem>> -> memref<!tpu.dma_semaphore, #tpu.memory_space<semaphore_mem>>
      %dma_wait3A_516 = arith.constant 0 : i32
      %dma_wait3A_517 = tpu.memref_slice %arg4[%dma_wait3A_516, %mul3A_513] : memref<1024x100000xf32, #tpu.memory_space<any>> -> memref<1024x256xf32, #tpu.memory_space<any>>
      tpu.wait_dma2 semaphore(%dma_wait3A_515 : memref<!tpu.dma_semaphore, #tpu.memory_space<semaphore_mem>>) src(%arg16 : memref<1024x256xf32, #tpu.memory_space<vmem>>) dst(%dma_wait3A_517 : memref<1024x256xf32, #tpu.memory_space<any>>)
    } else {
    }
    %get3A_347 = arith.constant 0 : index
    %get3A_348 = arith.constant 0 : index
    %get3A_349 = vector.load %arg1[%get3A_347, %get3A_348] : memref<1024x64xbf16, #tpu.memory_space<vmem>>, vector<1024x64xbf16>
    %get3A_350 = arith.constant 2816 : index
    %get3A_351 = arith.constant 0 : index
    %get3A_352 = vector.load %arg2[%get3A_350, %get3A_351] : memref<4096x64xbf16, #tpu.memory_space<vmem>>, vector<256x64xbf16>
    %dot_general3A_353 = arith.constant dense<0.000000e+00> : vector<1024x256xf32>
    %dot_general3A_354 = tpu.matmul %get3A_349, %get3A_352, %dot_general3A_353 {dimension_numbers = #tpu.dot_dimension_numbers<[1], [1], [0], [0], [0, 0, 1, 0], [], []>, transpose_lhs_hint = false} : vector<1024x64xbf16>, vector<256x64xbf16>, vector<1024x256xf32> -> vector<1024x256xf32>
    %get3A_355 = arith.constant 0 : index
    %get3A_356 = arith.constant 0 : index
    %get3A_357 = vector.load %arg3[%get3A_355, %get3A_356] : memref<1024x1xf32, #tpu.memory_space<vmem>>, vector<1024x1xf32>
    %sub3A_358 = vector.broadcast %get3A_357 : vector<1024x1xf32> to vector<1024x256xf32>
    %sub3A_359 = arith.subf %dot_general3A_354, %sub3A_358 : vector<1024x256xf32>
    %swap3A_360 = arith.constant 0 : index
    %swap3A_361 = arith.constant 0 : index
    %swap3A_362 = vector.load %arg16[%swap3A_360, %swap3A_361] : memref<1024x256xf32, #tpu.memory_space<vmem>>, vector<1024x256xf32>
    tpu.vector_store %arg16[%swap3A_360, %swap3A_361], %sub3A_359 {strides = array<i32>} : memref<1024x256xf32, #tpu.memory_space<vmem>>, vector<1024x256xf32>,
    %mul3A_363 = arith.constant 16 : i32
    %mul3A_364 = arith.muli %arg0, %mul3A_363 : i32
    %add3A_365 = arith.constant 11 : i32
    %add3A_366 = arith.addi %mul3A_364, %add3A_365 : i32
    %mul3A_367 = arith.constant 256 : i32
    %mul3A_368 = arith.muli %add3A_366, %mul3A_367 : i32
    %dma_start3A_369 = arith.constant 11 : i32
    %dma_start3A_370 = tpu.memref_slice %arg21[%dma_start3A_369] : memref<16x!tpu.dma_semaphore, #tpu.memory_space<semaphore_mem>> -> memref<1x!tpu.dma_semaphore, #tpu.memory_space<semaphore_mem>>
    %dma_start3A_371 = tpu.memref_squeeze %dma_start3A_370 : memref<1x!tpu.dma_semaphore, #tpu.memory_space<semaphore_mem>> -> memref<!tpu.dma_semaphore, #tpu.memory_space<semaphore_mem>>
    %dma_start3A_372 = arith.constant 0 : i32
    %dma_start3A_373 = tpu.memref_slice %arg4[%dma_start3A_372, %mul3A_368] : memref<1024x100000xf32, #tpu.memory_space<any>> -> memref<1024x256xf32, #tpu.memory_space<any>>
    tpu.enqueue_dma source(%arg16 : memref<1024x256xf32, #tpu.memory_space<vmem>>) target(%dma_start3A_373 : memref<1024x256xf32, #tpu.memory_space<any>>) target_semaphore(%dma_start3A_371 : memref<!tpu.dma_semaphore, #tpu.memory_space<semaphore_mem>>) {priority = 1 : i32}
    %gt3A_374 = arith.constant 0 : i32
    %gt3A_375 = arith.cmpi sgt, %arg0, %gt3A_374 : i32
    %convert_element_type3A_376 = arith.extui %gt3A_375 : i1 to i32
    %cond3A_377 = arith.constant 0 : i32
    %cond3A_378 = arith.cmpi ne, %convert_element_type3A_376, %cond3A_377 : i32
    scf.if %cond3A_378 {
      %sub3A_506 = arith.constant 1 : i32
      %sub3A_507 = arith.subi %arg0, %sub3A_506 : i32
      %mul3A_508 = arith.constant 16 : i32
      %mul3A_509 = arith.muli %sub3A_507, %mul3A_508 : i32
      %add3A_510 = arith.constant 12 : i32
      %add3A_511 = arith.addi %mul3A_509, %add3A_510 : i32
      %mul3A_512 = arith.constant 256 : i32
      %mul3A_513 = arith.muli %add3A_511, %mul3A_512 : i32
      %dma_wait3A = arith.constant 12 : i32
      %dma_wait3A_514 = tpu.memref_slice %arg21[%dma_wait3A] : memref<16x!tpu.dma_semaphore, #tpu.memory_space<semaphore_mem>> -> memref<1x!tpu.dma_semaphore, #tpu.memory_space<semaphore_mem>>
      %dma_wait3A_515 = tpu.memref_squeeze %dma_wait3A_514 : memref<1x!tpu.dma_semaphore, #tpu.memory_space<semaphore_mem>> -> memref<!tpu.dma_semaphore, #tpu.memory_space<semaphore_mem>>
      %dma_wait3A_516 = arith.constant 0 : i32
      %dma_wait3A_517 = tpu.memref_slice %arg4[%dma_wait3A_516, %mul3A_513] : memref<1024x100000xf32, #tpu.memory_space<any>> -> memref<1024x256xf32, #tpu.memory_space<any>>
      tpu.wait_dma2 semaphore(%dma_wait3A_515 : memref<!tpu.dma_semaphore, #tpu.memory_space<semaphore_mem>>) src(%arg17 : memref<1024x256xf32, #tpu.memory_space<vmem>>) dst(%dma_wait3A_517 : memref<1024x256xf32, #tpu.memory_space<any>>)
    } else {
    }
    %get3A_379 = arith.constant 0 : index
    %get3A_380 = arith.constant 0 : index
    %get3A_381 = vector.load %arg1[%get3A_379, %get3A_380] : memref<1024x64xbf16, #tpu.memory_space<vmem>>, vector<1024x64xbf16>
    %get3A_382 = arith.constant 3072 : index
    %get3A_383 = arith.constant 0 : index
    %get3A_384 = vector.load %arg2[%get3A_382, %get3A_383] : memref<4096x64xbf16, #tpu.memory_space<vmem>>, vector<256x64xbf16>
    %dot_general3A_385 = arith.constant dense<0.000000e+00> : vector<1024x256xf32>
    %dot_general3A_386 = tpu.matmul %get3A_381, %get3A_384, %dot_general3A_385 {dimension_numbers = #tpu.dot_dimension_numbers<[1], [1], [0], [0], [0, 0, 1, 0], [], []>, transpose_lhs_hint = false} : vector<1024x64xbf16>, vector<256x64xbf16>, vector<1024x256xf32> -> vector<1024x256xf32>
    %get3A_387 = arith.constant 0 : index
    %get3A_388 = arith.constant 0 : index
    %get3A_389 = vector.load %arg3[%get3A_387, %get3A_388] : memref<1024x1xf32, #tpu.memory_space<vmem>>, vector<1024x1xf32>
    %sub3A_390 = vector.broadcast %get3A_389 : vector<1024x1xf32> to vector<1024x256xf32>
    %sub3A_391 = arith.subf %dot_general3A_386, %sub3A_390 : vector<1024x256xf32>
    %swap3A_392 = arith.constant 0 : index
    %swap3A_393 = arith.constant 0 : index
    %swap3A_394 = vector.load %arg17[%swap3A_392, %swap3A_393] : memref<1024x256xf32, #tpu.memory_space<vmem>>, vector<1024x256xf32>
    tpu.vector_store %arg17[%swap3A_392, %swap3A_393], %sub3A_391 {strides = array<i32>} : memref<1024x256xf32, #tpu.memory_space<vmem>>, vector<1024x256xf32>,
    %mul3A_395 = arith.constant 16 : i32
    %mul3A_396 = arith.muli %arg0, %mul3A_395 : i32
    %add3A_397 = arith.constant 12 : i32
    %add3A_398 = arith.addi %mul3A_396, %add3A_397 : i32
    %mul3A_399 = arith.constant 256 : i32
    %mul3A_400 = arith.muli %add3A_398, %mul3A_399 : i32
    %dma_start3A_401 = arith.constant 12 : i32
    %dma_start3A_402 = tpu.memref_slice %arg21[%dma_start3A_401] : memref<16x!tpu.dma_semaphore, #tpu.memory_space<semaphore_mem>> -> memref<1x!tpu.dma_semaphore, #tpu.memory_space<semaphore_mem>>
    %dma_start3A_403 = tpu.memref_squeeze %dma_start3A_402 : memref<1x!tpu.dma_semaphore, #tpu.memory_space<semaphore_mem>> -> memref<!tpu.dma_semaphore, #tpu.memory_space<semaphore_mem>>
    %dma_start3A_404 = arith.constant 0 : i32
    %dma_start3A_405 = tpu.memref_slice %arg4[%dma_start3A_404, %mul3A_400] : memref<1024x100000xf32, #tpu.memory_space<any>> -> memref<1024x256xf32, #tpu.memory_space<any>>
    tpu.enqueue_dma source(%arg17 : memref<1024x256xf32, #tpu.memory_space<vmem>>) target(%dma_start3A_405 : memref<1024x256xf32, #tpu.memory_space<any>>) target_semaphore(%dma_start3A_403 : memref<!tpu.dma_semaphore, #tpu.memory_space<semaphore_mem>>)
    %gt3A_406 = arith.constant 0 : i32
    %gt3A_407 = arith.cmpi sgt, %arg0, %gt3A_406 : i32
    %convert_element_type3A_408 = arith.extui %gt3A_407 : i1 to i32
    %cond3A_409 = arith.constant 0 : i32
    %cond3A_410 = arith.cmpi ne, %convert_element_type3A_408, %cond3A_409 : i32
    scf.if %cond3A_410 {
      %sub3A_506 = arith.constant 1 : i32
      %sub3A_507 = arith.subi %arg0, %sub3A_506 : i32
      %mul3A_508 = arith.constant 16 : i32
      %mul3A_509 = arith.muli %sub3A_507, %mul3A_508 : i32
      %add3A_510 = arith.constant 13 : i32
      %add3A_511 = arith.addi %mul3A_509, %add3A_510 : i32
      %mul3A_512 = arith.constant 256 : i32
      %mul3A_513 = arith.muli %add3A_511, %mul3A_512 : i32
      %dma_wait3A = arith.constant 13 : i32
      %dma_wait3A_514 = tpu.memref_slice %arg21[%dma_wait3A] : memref<16x!tpu.dma_semaphore, #tpu.memory_space<semaphore_mem>> -> memref<1x!tpu.dma_semaphore, #tpu.memory_space<semaphore_mem>>
      %dma_wait3A_515 = tpu.memref_squeeze %dma_wait3A_514 : memref<1x!tpu.dma_semaphore, #tpu.memory_space<semaphore_mem>> -> memref<!tpu.dma_semaphore, #tpu.memory_space<semaphore_mem>>
      %dma_wait3A_516 = arith.constant 0 : i32
      %dma_wait3A_517 = tpu.memref_slice %arg4[%dma_wait3A_516, %mul3A_513] : memref<1024x100000xf32, #tpu.memory_space<any>> -> memref<1024x256xf32, #tpu.memory_space<any>>
      tpu.wait_dma2 semaphore(%dma_wait3A_515 : memref<!tpu.dma_semaphore, #tpu.memory_space<semaphore_mem>>) src(%arg18 : memref<1024x256xf32, #tpu.memory_space<vmem>>) dst(%dma_wait3A_517 : memref<1024x256xf32, #tpu.memory_space<any>>)
    } else {
    }
    %get3A_411 = arith.constant 0 : index
    %get3A_412 = arith.constant 0 : index
    %get3A_413 = vector.load %arg1[%get3A_411, %get3A_412] : memref<1024x64xbf16, #tpu.memory_space<vmem>>, vector<1024x64xbf16>
    %get3A_414 = arith.constant 3328 : index
    %get3A_415 = arith.constant 0 : index
    %get3A_416 = vector.load %arg2[%get3A_414, %get3A_415] : memref<4096x64xbf16, #tpu.memory_space<vmem>>, vector<256x64xbf16>
    %dot_general3A_417 = arith.constant dense<0.000000e+00> : vector<1024x256xf32>
    %dot_general3A_418 = tpu.matmul %get3A_413, %get3A_416, %dot_general3A_417 {dimension_numbers = #tpu.dot_dimension_numbers<[1], [1], [0], [0], [0, 0, 1, 0], [], []>, transpose_lhs_hint = false} : vector<1024x64xbf16>, vector<256x64xbf16>, vector<1024x256xf32> -> vector<1024x256xf32>
    %get3A_419 = arith.constant 0 : index
    %get3A_420 = arith.constant 0 : index
    %get3A_421 = vector.load %arg3[%get3A_419, %get3A_420] : memref<1024x1xf32, #tpu.memory_space<vmem>>, vector<1024x1xf32>
    %sub3A_422 = vector.broadcast %get3A_421 : vector<1024x1xf32> to vector<1024x256xf32>
    %sub3A_423 = arith.subf %dot_general3A_418, %sub3A_422 : vector<1024x256xf32>
    %swap3A_424 = arith.constant 0 : index
    %swap3A_425 = arith.constant 0 : index
    %swap3A_426 = vector.load %arg18[%swap3A_424, %swap3A_425] : memref<1024x256xf32, #tpu.memory_space<vmem>>, vector<1024x256xf32>
    tpu.vector_store %arg18[%swap3A_424, %swap3A_425], %sub3A_423 {strides = array<i32>} : memref<1024x256xf32, #tpu.memory_space<vmem>>, vector<1024x256xf32>,
    %mul3A_427 = arith.constant 16 : i32
    %mul3A_428 = arith.muli %arg0, %mul3A_427 : i32
    %add3A_429 = arith.constant 13 : i32
    %add3A_430 = arith.addi %mul3A_428, %add3A_429 : i32
    %mul3A_431 = arith.constant 256 : i32
    %mul3A_432 = arith.muli %add3A_430, %mul3A_431 : i32
    %dma_start3A_433 = arith.constant 13 : i32
    %dma_start3A_434 = tpu.memref_slice %arg21[%dma_start3A_433] : memref<16x!tpu.dma_semaphore, #tpu.memory_space<semaphore_mem>> -> memref<1x!tpu.dma_semaphore, #tpu.memory_space<semaphore_mem>>
    %dma_start3A_435 = tpu.memref_squeeze %dma_start3A_434 : memref<1x!tpu.dma_semaphore, #tpu.memory_space<semaphore_mem>> -> memref<!tpu.dma_semaphore, #tpu.memory_space<semaphore_mem>>
    %dma_start3A_436 = arith.constant 0 : i32
    %dma_start3A_437 = tpu.memref_slice %arg4[%dma_start3A_436, %mul3A_432] : memref<1024x100000xf32, #tpu.memory_space<any>> -> memref<1024x256xf32, #tpu.memory_space<any>>
    tpu.enqueue_dma source(%arg18 : memref<1024x256xf32, #tpu.memory_space<vmem>>) target(%dma_start3A_437 : memref<1024x256xf32, #tpu.memory_space<any>>) target_semaphore(%dma_start3A_435 : memref<!tpu.dma_semaphore, #tpu.memory_space<semaphore_mem>>) {priority = 1 : i32}
    %gt3A_438 = arith.constant 0 : i32
    %gt3A_439 = arith.cmpi sgt, %arg0, %gt3A_438 : i32
    %convert_element_type3A_440 = arith.extui %gt3A_439 : i1 to i32
    %cond3A_441 = arith.constant 0 : i32
    %cond3A_442 = arith.cmpi ne, %convert_element_type3A_440, %cond3A_441 : i32
    scf.if %cond3A_442 {
      %sub3A_506 = arith.constant 1 : i32
      %sub3A_507 = arith.subi %arg0, %sub3A_506 : i32
      %mul3A_508 = arith.constant 16 : i32
      %mul3A_509 = arith.muli %sub3A_507, %mul3A_508 : i32
      %add3A_510 = arith.constant 14 : i32
      %add3A_511 = arith.addi %mul3A_509, %add3A_510 : i32
      %mul3A_512 = arith.constant 256 : i32
      %mul3A_513 = arith.muli %add3A_511, %mul3A_512 : i32
      %dma_wait3A = arith.constant 14 : i32
      %dma_wait3A_514 = tpu.memref_slice %arg21[%dma_wait3A] : memref<16x!tpu.dma_semaphore, #tpu.memory_space<semaphore_mem>> -> memref<1x!tpu.dma_semaphore, #tpu.memory_space<semaphore_mem>>
      %dma_wait3A_515 = tpu.memref_squeeze %dma_wait3A_514 : memref<1x!tpu.dma_semaphore, #tpu.memory_space<semaphore_mem>> -> memref<!tpu.dma_semaphore, #tpu.memory_space<semaphore_mem>>
      %dma_wait3A_516 = arith.constant 0 : i32
      %dma_wait3A_517 = tpu.memref_slice %arg4[%dma_wait3A_516, %mul3A_513] : memref<1024x100000xf32, #tpu.memory_space<any>> -> memref<1024x256xf32, #tpu.memory_space<any>>
      tpu.wait_dma2 semaphore(%dma_wait3A_515 : memref<!tpu.dma_semaphore, #tpu.memory_space<semaphore_mem>>) src(%arg19 : memref<1024x256xf32, #tpu.memory_space<vmem>>) dst(%dma_wait3A_517 : memref<1024x256xf32, #tpu.memory_space<any>>)
    } else {
    }
    %get3A_443 = arith.constant 0 : index
    %get3A_444 = arith.constant 0 : index
    %get3A_445 = vector.load %arg1[%get3A_443, %get3A_444] : memref<1024x64xbf16, #tpu.memory_space<vmem>>, vector<1024x64xbf16>
    %get3A_446 = arith.constant 3584 : index
    %get3A_447 = arith.constant 0 : index
    %get3A_448 = vector.load %arg2[%get3A_446, %get3A_447] : memref<4096x64xbf16, #tpu.memory_space<vmem>>, vector<256x64xbf16>
    %dot_general3A_449 = arith.constant dense<0.000000e+00> : vector<1024x256xf32>
    %dot_general3A_450 = tpu.matmul %get3A_445, %get3A_448, %dot_general3A_449 {dimension_numbers = #tpu.dot_dimension_numbers<[1], [1], [0], [0], [0, 0, 1, 0], [], []>, transpose_lhs_hint = false} : vector<1024x64xbf16>, vector<256x64xbf16>, vector<1024x256xf32> -> vector<1024x256xf32>
    %get3A_451 = arith.constant 0 : index
    %get3A_452 = arith.constant 0 : index
    %get3A_453 = vector.load %arg3[%get3A_451, %get3A_452] : memref<1024x1xf32, #tpu.memory_space<vmem>>, vector<1024x1xf32>
    %sub3A_454 = vector.broadcast %get3A_453 : vector<1024x1xf32> to vector<1024x256xf32>
    %sub3A_455 = arith.subf %dot_general3A_450, %sub3A_454 : vector<1024x256xf32>
    %swap3A_456 = arith.constant 0 : index
    %swap3A_457 = arith.constant 0 : index
    %swap3A_458 = vector.load %arg19[%swap3A_456, %swap3A_457] : memref<1024x256xf32, #tpu.memory_space<vmem>>, vector<1024x256xf32>
    tpu.vector_store %arg19[%swap3A_456, %swap3A_457], %sub3A_455 {strides = array<i32>} : memref<1024x256xf32, #tpu.memory_space<vmem>>, vector<1024x256xf32>,
    %mul3A_459 = arith.constant 16 : i32
    %mul3A_460 = arith.muli %arg0, %mul3A_459 : i32
    %add3A_461 = arith.constant 14 : i32
    %add3A_462 = arith.addi %mul3A_460, %add3A_461 : i32
    %mul3A_463 = arith.constant 256 : i32
    %mul3A_464 = arith.muli %add3A_462, %mul3A_463 : i32
    %dma_start3A_465 = arith.constant 14 : i32
    %dma_start3A_466 = tpu.memref_slice %arg21[%dma_start3A_465] : memref<16x!tpu.dma_semaphore, #tpu.memory_space<semaphore_mem>> -> memref<1x!tpu.dma_semaphore, #tpu.memory_space<semaphore_mem>>
    %dma_start3A_467 = tpu.memref_squeeze %dma_start3A_466 : memref<1x!tpu.dma_semaphore, #tpu.memory_space<semaphore_mem>> -> memref<!tpu.dma_semaphore, #tpu.memory_space<semaphore_mem>>
    %dma_start3A_468 = arith.constant 0 : i32
    %dma_start3A_469 = tpu.memref_slice %arg4[%dma_start3A_468, %mul3A_464] : memref<1024x100000xf32, #tpu.memory_space<any>> -> memref<1024x256xf32, #tpu.memory_space<any>>
    tpu.enqueue_dma source(%arg19 : memref<1024x256xf32, #tpu.memory_space<vmem>>) target(%dma_start3A_469 : memref<1024x256xf32, #tpu.memory_space<any>>) target_semaphore(%dma_start3A_467 : memref<!tpu.dma_semaphore, #tpu.memory_space<semaphore_mem>>)
    %gt3A_470 = arith.constant 0 : i32
    %gt3A_471 = arith.cmpi sgt, %arg0, %gt3A_470 : i32
    %convert_element_type3A_472 = arith.extui %gt3A_471 : i1 to i32
    %cond3A_473 = arith.constant 0 : i32
    %cond3A_474 = arith.cmpi ne, %convert_element_type3A_472, %cond3A_473 : i32
    scf.if %cond3A_474 {
      %sub3A_506 = arith.constant 1 : i32
      %sub3A_507 = arith.subi %arg0, %sub3A_506 : i32
      %mul3A_508 = arith.constant 16 : i32
      %mul3A_509 = arith.muli %sub3A_507, %mul3A_508 : i32
      %add3A_510 = arith.constant 15 : i32
      %add3A_511 = arith.addi %mul3A_509, %add3A_510 : i32
      %mul3A_512 = arith.constant 256 : i32
      %mul3A_513 = arith.muli %add3A_511, %mul3A_512 : i32
      %dma_wait3A = arith.constant 15 : i32
      %dma_wait3A_514 = tpu.memref_slice %arg21[%dma_wait3A] : memref<16x!tpu.dma_semaphore, #tpu.memory_space<semaphore_mem>> -> memref<1x!tpu.dma_semaphore, #tpu.memory_space<semaphore_mem>>
      %dma_wait3A_515 = tpu.memref_squeeze %dma_wait3A_514 : memref<1x!tpu.dma_semaphore, #tpu.memory_space<semaphore_mem>> -> memref<!tpu.dma_semaphore, #tpu.memory_space<semaphore_mem>>
      %dma_wait3A_516 = arith.constant 0 : i32
      %dma_wait3A_517 = tpu.memref_slice %arg4[%dma_wait3A_516, %mul3A_513] : memref<1024x100000xf32, #tpu.memory_space<any>> -> memref<1024x256xf32, #tpu.memory_space<any>>
      tpu.wait_dma2 semaphore(%dma_wait3A_515 : memref<!tpu.dma_semaphore, #tpu.memory_space<semaphore_mem>>) src(%arg20 : memref<1024x256xf32, #tpu.memory_space<vmem>>) dst(%dma_wait3A_517 : memref<1024x256xf32, #tpu.memory_space<any>>)
    } else {
    }
    %get3A_475 = arith.constant 0 : index
    %get3A_476 = arith.constant 0 : index
    %get3A_477 = vector.load %arg1[%get3A_475, %get3A_476] : memref<1024x64xbf16, #tpu.memory_space<vmem>>, vector<1024x64xbf16>
    %get3A_478 = arith.constant 3840 : index
    %get3A_479 = arith.constant 0 : index
    %get3A_480 = vector.load %arg2[%get3A_478, %get3A_479] : memref<4096x64xbf16, #tpu.memory_space<vmem>>, vector<256x64xbf16>
    %dot_general3A_481 = arith.constant dense<0.000000e+00> : vector<1024x256xf32>
    %dot_general3A_482 = tpu.matmul %get3A_477, %get3A_480, %dot_general3A_481 {dimension_numbers = #tpu.dot_dimension_numbers<[1], [1], [0], [0], [0, 0, 1, 0], [], []>, transpose_lhs_hint = false} : vector<1024x64xbf16>, vector<256x64xbf16>, vector<1024x256xf32> -> vector<1024x256xf32>
    %get3A_483 = arith.constant 0 : index
    %get3A_484 = arith.constant 0 : index
    %get3A_485 = vector.load %arg3[%get3A_483, %get3A_484] : memref<1024x1xf32, #tpu.memory_space<vmem>>, vector<1024x1xf32>
    %sub3A_486 = vector.broadcast %get3A_485 : vector<1024x1xf32> to vector<1024x256xf32>
    %sub3A_487 = arith.subf %dot_general3A_482, %sub3A_486 : vector<1024x256xf32>
    %swap3A_488 = arith.constant 0 : index
    %swap3A_489 = arith.constant 0 : index
    %swap3A_490 = vector.load %arg20[%swap3A_488, %swap3A_489] : memref<1024x256xf32, #tpu.memory_space<vmem>>, vector<1024x256xf32>
    tpu.vector_store %arg20[%swap3A_488, %swap3A_489], %sub3A_487 {strides = array<i32>} : memref<1024x256xf32, #tpu.memory_space<vmem>>, vector<1024x256xf32>,
    %mul3A_491 = arith.constant 16 : i32
    %mul3A_492 = arith.muli %arg0, %mul3A_491 : i32
    %add3A_493 = arith.constant 15 : i32
    %add3A_494 = arith.addi %mul3A_492, %add3A_493 : i32
    %mul3A_495 = arith.constant 256 : i32
    %mul3A_496 = arith.muli %add3A_494, %mul3A_495 : i32
    %dma_start3A_497 = arith.constant 15 : i32
    %dma_start3A_498 = tpu.memref_slice %arg21[%dma_start3A_497] : memref<16x!tpu.dma_semaphore, #tpu.memory_space<semaphore_mem>> -> memref<1x!tpu.dma_semaphore, #tpu.memory_space<semaphore_mem>>
    %dma_start3A_499 = tpu.memref_squeeze %dma_start3A_498 : memref<1x!tpu.dma_semaphore, #tpu.memory_space<semaphore_mem>> -> memref<!tpu.dma_semaphore, #tpu.memory_space<semaphore_mem>>
    %dma_start3A_500 = arith.constant 0 : i32
    %dma_start3A_501 = tpu.memref_slice %arg4[%dma_start3A_500, %mul3A_496] : memref<1024x100000xf32, #tpu.memory_space<any>> -> memref<1024x256xf32, #tpu.memory_space<any>>
    tpu.enqueue_dma source(%arg20 : memref<1024x256xf32, #tpu.memory_space<vmem>>) target(%dma_start3A_501 : memref<1024x256xf32, #tpu.memory_space<any>>) target_semaphore(%dma_start3A_499 : memref<!tpu.dma_semaphore, #tpu.memory_space<semaphore_mem>>) {priority = 1 : i32}
    %eq3A = arith.constant 23 : i32
    %eq3A_502 = arith.cmpi eq, %arg0, %eq3A : i32
    %convert_element_type3A_503 = arith.extui %eq3A_502 : i1 to i32
    %cond3A_504 = arith.constant 0 : i32
    %cond3A_505 = arith.cmpi ne, %convert_element_type3A_503, %cond3A_504 : i32
    scf.if %cond3A_505 {
      %mul3A_506 = arith.constant 16 : i32
      %mul3A_507 = arith.muli %arg0, %mul3A_506 : i32
      %add3A_508 = arith.constant 0 : i32
      %add3A_509 = arith.addi %mul3A_507, %add3A_508 : i32
      %mul3A_510 = arith.constant 256 : i32
      %mul3A_511 = arith.muli %add3A_509, %mul3A_510 : i32
      %dma_wait3A = arith.constant 0 : i32
      %dma_wait3A_512 = tpu.memref_slice %arg21[%dma_wait3A] : memref<16x!tpu.dma_semaphore, #tpu.memory_space<semaphore_mem>> -> memref<1x!tpu.dma_semaphore, #tpu.memory_space<semaphore_mem>>
      %dma_wait3A_513 = tpu.memref_squeeze %dma_wait3A_512 : memref<1x!tpu.dma_semaphore, #tpu.memory_space<semaphore_mem>> -> memref<!tpu.dma_semaphore, #tpu.memory_space<semaphore_mem>>
      %dma_wait3A_514 = arith.constant 0 : i32
      %dma_wait3A_515 = tpu.memref_slice %arg4[%dma_wait3A_514, %mul3A_511] : memref<1024x100000xf32, #tpu.memory_space<any>> -> memref<1024x256xf32, #tpu.memory_space<any>>
      tpu.wait_dma2 semaphore(%dma_wait3A_513 : memref<!tpu.dma_semaphore, #tpu.memory_space<semaphore_mem>>) src(%arg5 : memref<1024x256xf32, #tpu.memory_space<vmem>>) dst(%dma_wait3A_515 : memref<1024x256xf32, #tpu.memory_space<any>>)
      %mul3A_516 = arith.constant 16 : i32
      %mul3A_517 = arith.muli %arg0, %mul3A_516 : i32
      %add3A_518 = arith.constant 1 : i32
      %add3A_519 = arith.addi %mul3A_517, %add3A_518 : i32
      %mul3A_520 = arith.constant 256 : i32
      %mul3A_521 = arith.muli %add3A_519, %mul3A_520 : i32
      %dma_wait3A_522 = arith.constant 1 : i32
      %dma_wait3A_523 = tpu.memref_slice %arg21[%dma_wait3A_522] : memref<16x!tpu.dma_semaphore, #tpu.memory_space<semaphore_mem>> -> memref<1x!tpu.dma_semaphore, #tpu.memory_space<semaphore_mem>>
      %dma_wait3A_524 = tpu.memref_squeeze %dma_wait3A_523 : memref<1x!tpu.dma_semaphore, #tpu.memory_space<semaphore_mem>> -> memref<!tpu.dma_semaphore, #tpu.memory_space<semaphore_mem>>
      %dma_wait3A_525 = arith.constant 0 : i32
      %dma_wait3A_526 = tpu.memref_slice %arg4[%dma_wait3A_525, %mul3A_521] : memref<1024x100000xf32, #tpu.memory_space<any>> -> memref<1024x256xf32, #tpu.memory_space<any>>
      tpu.wait_dma2 semaphore(%dma_wait3A_524 : memref<!tpu.dma_semaphore, #tpu.memory_space<semaphore_mem>>) src(%arg6 : memref<1024x256xf32, #tpu.memory_space<vmem>>) dst(%dma_wait3A_526 : memref<1024x256xf32, #tpu.memory_space<any>>)
      %mul3A_527 = arith.constant 16 : i32
      %mul3A_528 = arith.muli %arg0, %mul3A_527 : i32
      %add3A_529 = arith.constant 2 : i32
      %add3A_530 = arith.addi %mul3A_528, %add3A_529 : i32
      %mul3A_531 = arith.constant 256 : i32
      %mul3A_532 = arith.muli %add3A_530, %mul3A_531 : i32
      %dma_wait3A_533 = arith.constant 2 : i32
      %dma_wait3A_534 = tpu.memref_slice %arg21[%dma_wait3A_533] : memref<16x!tpu.dma_semaphore, #tpu.memory_space<semaphore_mem>> -> memref<1x!tpu.dma_semaphore, #tpu.memory_space<semaphore_mem>>
      %dma_wait3A_535 = tpu.memref_squeeze %dma_wait3A_534 : memref<1x!tpu.dma_semaphore, #tpu.memory_space<semaphore_mem>> -> memref<!tpu.dma_semaphore, #tpu.memory_space<semaphore_mem>>
      %dma_wait3A_536 = arith.constant 0 : i32
      %dma_wait3A_537 = tpu.memref_slice %arg4[%dma_wait3A_536, %mul3A_532] : memref<1024x100000xf32, #tpu.memory_space<any>> -> memref<1024x256xf32, #tpu.memory_space<any>>
      tpu.wait_dma2 semaphore(%dma_wait3A_535 : memref<!tpu.dma_semaphore, #tpu.memory_space<semaphore_mem>>) src(%arg7 : memref<1024x256xf32, #tpu.memory_space<vmem>>) dst(%dma_wait3A_537 : memref<1024x256xf32, #tpu.memory_space<any>>)
      %mul3A_538 = arith.constant 16 : i32
      %mul3A_539 = arith.muli %arg0, %mul3A_538 : i32
      %add3A_540 = arith.constant 3 : i32
      %add3A_541 = arith.addi %mul3A_539, %add3A_540 : i32
      %mul3A_542 = arith.constant 256 : i32
      %mul3A_543 = arith.muli %add3A_541, %mul3A_542 : i32
      %dma_wait3A_544 = arith.constant 3 : i32
      %dma_wait3A_545 = tpu.memref_slice %arg21[%dma_wait3A_544] : memref<16x!tpu.dma_semaphore, #tpu.memory_space<semaphore_mem>> -> memref<1x!tpu.dma_semaphore, #tpu.memory_space<semaphore_mem>>
      %dma_wait3A_546 = tpu.memref_squeeze %dma_wait3A_545 : memref<1x!tpu.dma_semaphore, #tpu.memory_space<semaphore_mem>> -> memref<!tpu.dma_semaphore, #tpu.memory_space<semaphore_mem>>
      %dma_wait3A_547 = arith.constant 0 : i32
      %dma_wait3A_548 = tpu.memref_slice %arg4[%dma_wait3A_547, %mul3A_543] : memref<1024x100000xf32, #tpu.memory_space<any>> -> memref<1024x256xf32, #tpu.memory_space<any>>
      tpu.wait_dma2 semaphore(%dma_wait3A_546 : memref<!tpu.dma_semaphore, #tpu.memory_space<semaphore_mem>>) src(%arg8 : memref<1024x256xf32, #tpu.memory_space<vmem>>) dst(%dma_wait3A_548 : memref<1024x256xf32, #tpu.memory_space<any>>)
      %mul3A_549 = arith.constant 16 : i32
      %mul3A_550 = arith.muli %arg0, %mul3A_549 : i32
      %add3A_551 = arith.constant 4 : i32
      %add3A_552 = arith.addi %mul3A_550, %add3A_551 : i32
      %mul3A_553 = arith.constant 256 : i32
      %mul3A_554 = arith.muli %add3A_552, %mul3A_553 : i32
      %dma_wait3A_555 = arith.constant 4 : i32
      %dma_wait3A_556 = tpu.memref_slice %arg21[%dma_wait3A_555] : memref<16x!tpu.dma_semaphore, #tpu.memory_space<semaphore_mem>> -> memref<1x!tpu.dma_semaphore, #tpu.memory_space<semaphore_mem>>
      %dma_wait3A_557 = tpu.memref_squeeze %dma_wait3A_556 : memref<1x!tpu.dma_semaphore, #tpu.memory_space<semaphore_mem>> -> memref<!tpu.dma_semaphore, #tpu.memory_space<semaphore_mem>>
      %dma_wait3A_558 = arith.constant 0 : i32
      %dma_wait3A_559 = tpu.memref_slice %arg4[%dma_wait3A_558, %mul3A_554] : memref<1024x100000xf32, #tpu.memory_space<any>> -> memref<1024x256xf32, #tpu.memory_space<any>>
      tpu.wait_dma2 semaphore(%dma_wait3A_557 : memref<!tpu.dma_semaphore, #tpu.memory_space<semaphore_mem>>) src(%arg9 : memref<1024x256xf32, #tpu.memory_space<vmem>>) dst(%dma_wait3A_559 : memref<1024x256xf32, #tpu.memory_space<any>>)
      %mul3A_560 = arith.constant 16 : i32
      %mul3A_561 = arith.muli %arg0, %mul3A_560 : i32
      %add3A_562 = arith.constant 5 : i32
      %add3A_563 = arith.addi %mul3A_561, %add3A_562 : i32
      %mul3A_564 = arith.constant 256 : i32
      %mul3A_565 = arith.muli %add3A_563, %mul3A_564 : i32
      %dma_wait3A_566 = arith.constant 5 : i32
      %dma_wait3A_567 = tpu.memref_slice %arg21[%dma_wait3A_566] : memref<16x!tpu.dma_semaphore, #tpu.memory_space<semaphore_mem>> -> memref<1x!tpu.dma_semaphore, #tpu.memory_space<semaphore_mem>>
      %dma_wait3A_568 = tpu.memref_squeeze %dma_wait3A_567 : memref<1x!tpu.dma_semaphore, #tpu.memory_space<semaphore_mem>> -> memref<!tpu.dma_semaphore, #tpu.memory_space<semaphore_mem>>
      %dma_wait3A_569 = arith.constant 0 : i32
      %dma_wait3A_570 = tpu.memref_slice %arg4[%dma_wait3A_569, %mul3A_565] : memref<1024x100000xf32, #tpu.memory_space<any>> -> memref<1024x256xf32, #tpu.memory_space<any>>
      tpu.wait_dma2 semaphore(%dma_wait3A_568 : memref<!tpu.dma_semaphore, #tpu.memory_space<semaphore_mem>>) src(%arg10 : memref<1024x256xf32, #tpu.memory_space<vmem>>) dst(%dma_wait3A_570 : memref<1024x256xf32, #tpu.memory_space<any>>)
      %mul3A_571 = arith.constant 16 : i32
      %mul3A_572 = arith.muli %arg0, %mul3A_571 : i32
      %add3A_573 = arith.constant 6 : i32
      %add3A_574 = arith.addi %mul3A_572, %add3A_573 : i32
      %mul3A_575 = arith.constant 256 : i32
      %mul3A_576 = arith.muli %add3A_574, %mul3A_575 : i32
      %dma_wait3A_577 = arith.constant 6 : i32
      %dma_wait3A_578 = tpu.memref_slice %arg21[%dma_wait3A_577] : memref<16x!tpu.dma_semaphore, #tpu.memory_space<semaphore_mem>> -> memref<1x!tpu.dma_semaphore, #tpu.memory_space<semaphore_mem>>
      %dma_wait3A_579 = tpu.memref_squeeze %dma_wait3A_578 : memref<1x!tpu.dma_semaphore, #tpu.memory_space<semaphore_mem>> -> memref<!tpu.dma_semaphore, #tpu.memory_space<semaphore_mem>>
      %dma_wait3A_580 = arith.constant 0 : i32
      %dma_wait3A_581 = tpu.memref_slice %arg4[%dma_wait3A_580, %mul3A_576] : memref<1024x100000xf32, #tpu.memory_space<any>> -> memref<1024x256xf32, #tpu.memory_space<any>>
      tpu.wait_dma2 semaphore(%dma_wait3A_579 : memref<!tpu.dma_semaphore, #tpu.memory_space<semaphore_mem>>) src(%arg11 : memref<1024x256xf32, #tpu.memory_space<vmem>>) dst(%dma_wait3A_581 : memref<1024x256xf32, #tpu.memory_space<any>>)
      %mul3A_582 = arith.constant 16 : i32
      %mul3A_583 = arith.muli %arg0, %mul3A_582 : i32
      %add3A_584 = arith.constant 7 : i32
      %add3A_585 = arith.addi %mul3A_583, %add3A_584 : i32
      %mul3A_586 = arith.constant 256 : i32
      %mul3A_587 = arith.muli %add3A_585, %mul3A_586 : i32
      %dma_wait3A_588 = arith.constant 7 : i32
      %dma_wait3A_589 = tpu.memref_slice %arg21[%dma_wait3A_588] : memref<16x!tpu.dma_semaphore, #tpu.memory_space<semaphore_mem>> -> memref<1x!tpu.dma_semaphore, #tpu.memory_space<semaphore_mem>>
      %dma_wait3A_590 = tpu.memref_squeeze %dma_wait3A_589 : memref<1x!tpu.dma_semaphore, #tpu.memory_space<semaphore_mem>> -> memref<!tpu.dma_semaphore, #tpu.memory_space<semaphore_mem>>
      %dma_wait3A_591 = arith.constant 0 : i32
      %dma_wait3A_592 = tpu.memref_slice %arg4[%dma_wait3A_591, %mul3A_587] : memref<1024x100000xf32, #tpu.memory_space<any>> -> memref<1024x256xf32, #tpu.memory_space<any>>
      tpu.wait_dma2 semaphore(%dma_wait3A_590 : memref<!tpu.dma_semaphore, #tpu.memory_space<semaphore_mem>>) src(%arg12 : memref<1024x256xf32, #tpu.memory_space<vmem>>) dst(%dma_wait3A_592 : memref<1024x256xf32, #tpu.memory_space<any>>)
      %mul3A_593 = arith.constant 16 : i32
      %mul3A_594 = arith.muli %arg0, %mul3A_593 : i32
      %add3A_595 = arith.constant 8 : i32
      %add3A_596 = arith.addi %mul3A_594, %add3A_595 : i32
      %mul3A_597 = arith.constant 256 : i32
      %mul3A_598 = arith.muli %add3A_596, %mul3A_597 : i32
      %dma_wait3A_599 = arith.constant 8 : i32
      %dma_wait3A_600 = tpu.memref_slice %arg21[%dma_wait3A_599] : memref<16x!tpu.dma_semaphore, #tpu.memory_space<semaphore_mem>> -> memref<1x!tpu.dma_semaphore, #tpu.memory_space<semaphore_mem>>
      %dma_wait3A_601 = tpu.memref_squeeze %dma_wait3A_600 : memref<1x!tpu.dma_semaphore, #tpu.memory_space<semaphore_mem>> -> memref<!tpu.dma_semaphore, #tpu.memory_space<semaphore_mem>>
      %dma_wait3A_602 = arith.constant 0 : i32
      %dma_wait3A_603 = tpu.memref_slice %arg4[%dma_wait3A_602, %mul3A_598] : memref<1024x100000xf32, #tpu.memory_space<any>> -> memref<1024x256xf32, #tpu.memory_space<any>>
      tpu.wait_dma2 semaphore(%dma_wait3A_601 : memref<!tpu.dma_semaphore, #tpu.memory_space<semaphore_mem>>) src(%arg13 : memref<1024x256xf32, #tpu.memory_space<vmem>>) dst(%dma_wait3A_603 : memref<1024x256xf32, #tpu.memory_space<any>>)
      %mul3A_604 = arith.constant 16 : i32
      %mul3A_605 = arith.muli %arg0, %mul3A_604 : i32
      %add3A_606 = arith.constant 9 : i32
      %add3A_607 = arith.addi %mul3A_605, %add3A_606 : i32
      %mul3A_608 = arith.constant 256 : i32
      %mul3A_609 = arith.muli %add3A_607, %mul3A_608 : i32
      %dma_wait3A_610 = arith.constant 9 : i32
      %dma_wait3A_611 = tpu.memref_slice %arg21[%dma_wait3A_610] : memref<16x!tpu.dma_semaphore, #tpu.memory_space<semaphore_mem>> -> memref<1x!tpu.dma_semaphore, #tpu.memory_space<semaphore_mem>>
      %dma_wait3A_612 = tpu.memref_squeeze %dma_wait3A_611 : memref<1x!tpu.dma_semaphore, #tpu.memory_space<semaphore_mem>> -> memref<!tpu.dma_semaphore, #tpu.memory_space<semaphore_mem>>
      %dma_wait3A_613 = arith.constant 0 : i32
      %dma_wait3A_614 = tpu.memref_slice %arg4[%dma_wait3A_613, %mul3A_609] : memref<1024x100000xf32, #tpu.memory_space<any>> -> memref<1024x256xf32, #tpu.memory_space<any>>
      tpu.wait_dma2 semaphore(%dma_wait3A_612 : memref<!tpu.dma_semaphore, #tpu.memory_space<semaphore_mem>>) src(%arg14 : memref<1024x256xf32, #tpu.memory_space<vmem>>) dst(%dma_wait3A_614 : memref<1024x256xf32, #tpu.memory_space<any>>)
      %mul3A_615 = arith.constant 16 : i32
      %mul3A_616 = arith.muli %arg0, %mul3A_615 : i32
      %add3A_617 = arith.constant 10 : i32
      %add3A_618 = arith.addi %mul3A_616, %add3A_617 : i32
      %mul3A_619 = arith.constant 256 : i32
      %mul3A_620 = arith.muli %add3A_618, %mul3A_619 : i32
      %dma_wait3A_621 = arith.constant 10 : i32
      %dma_wait3A_622 = tpu.memref_slice %arg21[%dma_wait3A_621] : memref<16x!tpu.dma_semaphore, #tpu.memory_space<semaphore_mem>> -> memref<1x!tpu.dma_semaphore, #tpu.memory_space<semaphore_mem>>
      %dma_wait3A_623 = tpu.memref_squeeze %dma_wait3A_622 : memref<1x!tpu.dma_semaphore, #tpu.memory_space<semaphore_mem>> -> memref<!tpu.dma_semaphore, #tpu.memory_space<semaphore_mem>>
      %dma_wait3A_624 = arith.constant 0 : i32
      %dma_wait3A_625 = tpu.memref_slice %arg4[%dma_wait3A_624, %mul3A_620] : memref<1024x100000xf32, #tpu.memory_space<any>> -> memref<1024x256xf32, #tpu.memory_space<any>>
      tpu.wait_dma2 semaphore(%dma_wait3A_623 : memref<!tpu.dma_semaphore, #tpu.memory_space<semaphore_mem>>) src(%arg15 : memref<1024x256xf32, #tpu.memory_space<vmem>>) dst(%dma_wait3A_625 : memref<1024x256xf32, #tpu.memory_space<any>>)
      %mul3A_626 = arith.constant 16 : i32
      %mul3A_627 = arith.muli %arg0, %mul3A_626 : i32
      %add3A_628 = arith.constant 11 : i32
      %add3A_629 = arith.addi %mul3A_627, %add3A_628 : i32
      %mul3A_630 = arith.constant 256 : i32
      %mul3A_631 = arith.muli %add3A_629, %mul3A_630 : i32
      %dma_wait3A_632 = arith.constant 11 : i32
      %dma_wait3A_633 = tpu.memref_slice %arg21[%dma_wait3A_632] : memref<16x!tpu.dma_semaphore, #tpu.memory_space<semaphore_mem>> -> memref<1x!tpu.dma_semaphore, #tpu.memory_space<semaphore_mem>>
      %dma_wait3A_634 = tpu.memref_squeeze %dma_wait3A_633 : memref<1x!tpu.dma_semaphore, #tpu.memory_space<semaphore_mem>> -> memref<!tpu.dma_semaphore, #tpu.memory_space<semaphore_mem>>
      %dma_wait3A_635 = arith.constant 0 : i32
      %dma_wait3A_636 = tpu.memref_slice %arg4[%dma_wait3A_635, %mul3A_631] : memref<1024x100000xf32, #tpu.memory_space<any>> -> memref<1024x256xf32, #tpu.memory_space<any>>
      tpu.wait_dma2 semaphore(%dma_wait3A_634 : memref<!tpu.dma_semaphore, #tpu.memory_space<semaphore_mem>>) src(%arg16 : memref<1024x256xf32, #tpu.memory_space<vmem>>) dst(%dma_wait3A_636 : memref<1024x256xf32, #tpu.memory_space<any>>)
      %mul3A_637 = arith.constant 16 : i32
      %mul3A_638 = arith.muli %arg0, %mul3A_637 : i32
      %add3A_639 = arith.constant 12 : i32
      %add3A_640 = arith.addi %mul3A_638, %add3A_639 : i32
      %mul3A_641 = arith.constant 256 : i32
      %mul3A_642 = arith.muli %add3A_640, %mul3A_641 : i32
      %dma_wait3A_643 = arith.constant 12 : i32
      %dma_wait3A_644 = tpu.memref_slice %arg21[%dma_wait3A_643] : memref<16x!tpu.dma_semaphore, #tpu.memory_space<semaphore_mem>> -> memref<1x!tpu.dma_semaphore, #tpu.memory_space<semaphore_mem>>
      %dma_wait3A_645 = tpu.memref_squeeze %dma_wait3A_644 : memref<1x!tpu.dma_semaphore, #tpu.memory_space<semaphore_mem>> -> memref<!tpu.dma_semaphore, #tpu.memory_space<semaphore_mem>>
      %dma_wait3A_646 = arith.constant 0 : i32
      %dma_wait3A_647 = tpu.memref_slice %arg4[%dma_wait3A_646, %mul3A_642] : memref<1024x100000xf32, #tpu.memory_space<any>> -> memref<1024x256xf32, #tpu.memory_space<any>>
      tpu.wait_dma2 semaphore(%dma_wait3A_645 : memref<!tpu.dma_semaphore, #tpu.memory_space<semaphore_mem>>) src(%arg17 : memref<1024x256xf32, #tpu.memory_space<vmem>>) dst(%dma_wait3A_647 : memref<1024x256xf32, #tpu.memory_space<any>>)
      %mul3A_648 = arith.constant 16 : i32
      %mul3A_649 = arith.muli %arg0, %mul3A_648 : i32
      %add3A_650 = arith.constant 13 : i32
      %add3A_651 = arith.addi %mul3A_649, %add3A_650 : i32
      %mul3A_652 = arith.constant 256 : i32
      %mul3A_653 = arith.muli %add3A_651, %mul3A_652 : i32
      %dma_wait3A_654 = arith.constant 13 : i32
      %dma_wait3A_655 = tpu.memref_slice %arg21[%dma_wait3A_654] : memref<16x!tpu.dma_semaphore, #tpu.memory_space<semaphore_mem>> -> memref<1x!tpu.dma_semaphore, #tpu.memory_space<semaphore_mem>>
      %dma_wait3A_656 = tpu.memref_squeeze %dma_wait3A_655 : memref<1x!tpu.dma_semaphore, #tpu.memory_space<semaphore_mem>> -> memref<!tpu.dma_semaphore, #tpu.memory_space<semaphore_mem>>
      %dma_wait3A_657 = arith.constant 0 : i32
      %dma_wait3A_658 = tpu.memref_slice %arg4[%dma_wait3A_657, %mul3A_653] : memref<1024x100000xf32, #tpu.memory_space<any>> -> memref<1024x256xf32, #tpu.memory_space<any>>
      tpu.wait_dma2 semaphore(%dma_wait3A_656 : memref<!tpu.dma_semaphore, #tpu.memory_space<semaphore_mem>>) src(%arg18 : memref<1024x256xf32, #tpu.memory_space<vmem>>) dst(%dma_wait3A_658 : memref<1024x256xf32, #tpu.memory_space<any>>)
      %mul3A_659 = arith.constant 16 : i32
      %mul3A_660 = arith.muli %arg0, %mul3A_659 : i32
      %add3A_661 = arith.constant 14 : i32
      %add3A_662 = arith.addi %mul3A_660, %add3A_661 : i32
      %mul3A_663 = arith.constant 256 : i32
      %mul3A_664 = arith.muli %add3A_662, %mul3A_663 : i32
      %dma_wait3A_665 = arith.constant 14 : i32
      %dma_wait3A_666 = tpu.memref_slice %arg21[%dma_wait3A_665] : memref<16x!tpu.dma_semaphore, #tpu.memory_space<semaphore_mem>> -> memref<1x!tpu.dma_semaphore, #tpu.memory_space<semaphore_mem>>
      %dma_wait3A_667 = tpu.memref_squeeze %dma_wait3A_666 : memref<1x!tpu.dma_semaphore, #tpu.memory_space<semaphore_mem>> -> memref<!tpu.dma_semaphore, #tpu.memory_space<semaphore_mem>>
      %dma_wait3A_668 = arith.constant 0 : i32
      %dma_wait3A_669 = tpu.memref_slice %arg4[%dma_wait3A_668, %mul3A_664] : memref<1024x100000xf32, #tpu.memory_space<any>> -> memref<1024x256xf32, #tpu.memory_space<any>>
      tpu.wait_dma2 semaphore(%dma_wait3A_667 : memref<!tpu.dma_semaphore, #tpu.memory_space<semaphore_mem>>) src(%arg19 : memref<1024x256xf32, #tpu.memory_space<vmem>>) dst(%dma_wait3A_669 : memref<1024x256xf32, #tpu.memory_space<any>>)
      %mul3A_670 = arith.constant 16 : i32
      %mul3A_671 = arith.muli %arg0, %mul3A_670 : i32
      %add3A_672 = arith.constant 15 : i32
      %add3A_673 = arith.addi %mul3A_671, %add3A_672 : i32
      %mul3A_674 = arith.constant 256 : i32
      %mul3A_675 = arith.muli %add3A_673, %mul3A_674 : i32
      %dma_wait3A_676 = arith.constant 15 : i32
      %dma_wait3A_677 = tpu.memref_slice %arg21[%dma_wait3A_676] : memref<16x!tpu.dma_semaphore, #tpu.memory_space<semaphore_mem>> -> memref<1x!tpu.dma_semaphore, #tpu.memory_space<semaphore_mem>>
      %dma_wait3A_678 = tpu.memref_squeeze %dma_wait3A_677 : memref<1x!tpu.dma_semaphore, #tpu.memory_space<semaphore_mem>> -> memref<!tpu.dma_semaphore, #tpu.memory_space<semaphore_mem>>
      %dma_wait3A_679 = arith.constant 0 : i32
      %dma_wait3A_680 = tpu.memref_slice %arg4[%dma_wait3A_679, %mul3A_675] : memref<1024x100000xf32, #tpu.memory_space<any>> -> memref<1024x256xf32, #tpu.memory_space<any>>
      tpu.wait_dma2 semaphore(%dma_wait3A_678 : memref<!tpu.dma_semaphore, #tpu.memory_space<semaphore_mem>>) src(%arg20 : memref<1024x256xf32, #tpu.memory_space<vmem>>) dst(%dma_wait3A_680 : memref<1024x256xf32, #tpu.memory_space<any>>)
    } else {
    }
    return
  }
  func.func @transform_0(%arg0: i32) -> (i32, i32) {
    %c0_i32 = arith.constant 0 : i32
    %c0_i32_0 = arith.constant 0 : i32
    %c0_i32_1 = arith.constant 0 : i32
    return %c0_i32, %c0_i32_0 : i32, i32
  }
  func.func @transform_1(%arg0: i32) -> (i32, i32) {
    %c0_i32 = arith.constant 0 : i32
    %c0_i32_0 = arith.constant 0 : i32
    return %arg0, %c0_i32 : i32, i32
  }
  func.func @transform_2(%arg0: i32) -> (i32, i32) {
    %c0_i32 = arith.constant 0 : i32
    %c0_i32_0 = arith.constant 0 : i32
    %c0_i32_1 = arith.constant 0 : i32
    return %c0_i32, %c0_i32_0 : i32, i32
  }
}

module attributes {stable_mosaic.version = 14 : i64} {
  func.func @_tail_body(%arg0: i32, %arg1: memref<1024x64xbf16, #tpu.memory_space<vmem>>, %arg2: memref<2048x64xbf16, #tpu.memory_space<vmem>>, %arg3: memref<1024x1xf32, #tpu.memory_space<vmem>>, %arg4: memref<1024x100000xf32, #tpu.memory_space<any>>, %arg5: memref<1024x2048xf32, #tpu.memory_space<vmem>>) attributes {dimension_semantics = [#tpu.dimension_semantics<arbitrary>], iteration_bounds = array<i64: 1>, scalar_prefetch = 0 : i64, scratch_operands = 0 : i64, tpu.core_type = #tpu.core_type<tc>, window_params = [{pipeline_mode = #tpu.pipeline_mode<synchronous>, transform_indices = @transform_0, window_bounds = array<i64: 1024, 64>}, {transform_indices = @transform_1, window_bounds = array<i64: 2048, 64>}, {pipeline_mode = #tpu.pipeline_mode<synchronous>, transform_indices = @transform_2, window_bounds = array<i64: 1024, 1>}, {}, {transform_indices = @transform_4, window_bounds = array<i64: 1024, 2048>}]} {
    %get3A = arith.constant 0 : index
    %get3A_0 = arith.constant 0 : index
    %get3A_1 = vector.load %arg1[%get3A, %get3A_0] : memref<1024x64xbf16, #tpu.memory_space<vmem>>, vector<1024x64xbf16>
    %get3A_2 = arith.constant 0 : index
    %get3A_3 = arith.constant 0 : index
    %get3A_4 = vector.load %arg2[%get3A_2, %get3A_3] : memref<2048x64xbf16, #tpu.memory_space<vmem>>, vector<2048x64xbf16>
    %dot_general3A = arith.constant dense<0.000000e+00> : vector<1024x2048xf32>
    %dot_general3A_5 = tpu.matmul %get3A_1, %get3A_4, %dot_general3A {dimension_numbers = #tpu.dot_dimension_numbers<[1], [1], [0], [0], [0, 0, 1, 0], [], []>, transpose_lhs_hint = false} : vector<1024x64xbf16>, vector<2048x64xbf16>, vector<1024x2048xf32> -> vector<1024x2048xf32>
    %get3A_6 = arith.constant 0 : index
    %get3A_7 = arith.constant 0 : index
    %get3A_8 = vector.load %arg3[%get3A_6, %get3A_7] : memref<1024x1xf32, #tpu.memory_space<vmem>>, vector<1024x1xf32>
    %sub3A = vector.broadcast %get3A_8 : vector<1024x1xf32> to vector<1024x2048xf32>
    %sub3A_9 = arith.subf %dot_general3A_5, %sub3A : vector<1024x2048xf32>
    %swap3A = arith.constant 0 : index
    %swap3A_10 = arith.constant 0 : index
    %swap3A_11 = vector.load %arg5[%swap3A, %swap3A_10] : memref<1024x2048xf32, #tpu.memory_space<vmem>>, vector<1024x2048xf32>
    tpu.vector_store %arg5[%swap3A, %swap3A_10], %sub3A_9 {strides = array<i32>} : memref<1024x2048xf32, #tpu.memory_space<vmem>>, vector<1024x2048xf32>,
    return
  }
  func.func @transform_0(%arg0: i32) -> (i32, i32) {
    %c0_i32 = arith.constant 0 : i32
    %c0_i32_0 = arith.constant 0 : i32
    %c0_i32_1 = arith.constant 0 : i32
    return %c0_i32, %c0_i32_0 : i32, i32
  }
  func.func @transform_1(%arg0: i32) -> (i32, i32) {
    %c48_i32 = arith.constant 48 : i32
    %c0_i32 = arith.constant 0 : i32
    %c0_i32_0 = arith.constant 0 : i32
    return %c48_i32, %c0_i32 : i32, i32
  }
  func.func @transform_2(%arg0: i32) -> (i32, i32) {
    %c0_i32 = arith.constant 0 : i32
    %c0_i32_0 = arith.constant 0 : i32
    %c0_i32_1 = arith.constant 0 : i32
    return %c0_i32, %c0_i32_0 : i32, i32
  }
  func.func @transform_4(%arg0: i32) -> (i32, i32) {
    %c0_i32 = arith.constant 0 : i32
    %c48_i32 = arith.constant 48 : i32
    %c0_i32_0 = arith.constant 0 : i32
    return %c0_i32, %c48_i32 : i32, i32
  }
}

</mosaic_0001>

<sc_bundles>
// kernel: kernel.6.cloned.1.call-start
scs
__scs_entry_jumppad:
0x0: {  	(pc) =	sbr.rel $0x88, $3  }
0x1: {  	(tag) =	ssettag $0x0;
	lr =	simm.s32 $0x1  }
0x2: {  	[smem:$0x3F9E] =	sst lr;
	_ =	strace $0xD0000000  }
0x3: {  	_ = 	snop  }
0x4: {  	_ = 	snop  }
0x5: {  	_ = 	snop  }
0x6: {  	_ = 	snop  }
0x7: {  	_ = 	snop  }
__scs_overlays_trampoline_lowered:
0x8: {  	[smem:$0x3FAD] =	sst s0  }
0x9: {  	[smem:$0x3FAE] =	sst s1  }
0xa: {  	[smem:$0x3FAF] =	sst s2  }
0xb: {  	[smem:$0x3FB0] =	sst s3  }
0xc: {  	[smem:$0x3FB1] =	sst s4  }
0xd: {  	[smem:$0x3FB2] =	sst s5  }
0xe: {  	[smem:$0x3FB3] =	sst s6  }
0xf: {  	[smem:$0x3FB4] =	sst s7  }
0x10: {  	[smem:$0x3FB5] =	sst s8  }
0x11: {  	[smem:$0x3FB6] =	sst s9;
	s0 =	simm.s32 @!p0 $0x0  }
0x12: {  	s1 =	sld [smem:$0x3F9C];
	s0 =	simm.s32 @p0 $0x1  }
0x13: {  	[smem:$0x3FB7] =	sst s0;
	s0 =	simm.s32 @!p1 $0x0  }
0x14: {  	s2 =	sld [smem:$0x3F9B];
	s0 =	simm.s32 @p1 $0x1  }
0x15: {  	[smem:$0x3FB8] =	sst s0;
	s0 =	simm.s32 @!p2 $0x0  }
0x16: {  	s3 =	sld [smem:$0x3FDB];
	s0 =	simm.s32 @p2 $0x1  }
0x17: {  	s4 =	simm.s32 $0x1BF5;
	[smem:$0x3FBA] =	sst s0  }
0x18: {  	s0 =	sld [smem:$0x3F9D];
	_ =	swait.ge [sflag:s4], $0x0  }
0x19: {  	s7 =	sld [smem:$0x3F9E]  }
0x1a: {  	s8 =	sadd.s32 $0xFFFFE003, lr  }
0x1b: {  	s9 =	sadd.s32 $0xFFFFFEF7, lr;
	s5 =	simm.s32 $0xFFFFFFFF;
	p2 =	slt.u32 s8, $0xFFFFF086  }
0x1c: {  	p1 =	slt.u32 s9, $0xF7A;
	s5 =	simm.s32 @!p2 $0x0  }
0x1d: {  	s5 =	simm.s32 @p1 $0x1;
	p0 =	seq.s32 s7, s2  }
0x1e: {  	s7 =	smul.u32 @!p0 $0xF7A, s2;
	p2 =	seq.s32 @!p0 s5, $0x0  }
0x1f: {  	s9 =	smul.u32 $0xF7A, s1;
	s8 =	simm.s32 @!p0 $0x1BF5;
	p2 =	por !p2, p0  }
0x20: {  	[sflag:s8] =	ssyncset.s32 @!p0 $0xFFFFF086;
	s6 =	sadd.s32 @!p0 s3, s7;
	s7 =	simm.s32 @!p0 $0x108  }
0x21: {  	s3 =	sadd.s32 s3, s9;
	s6 =	sadd.s32 @!p0 $0x88, s6;
	s7 =	simm.s32 @p2 $0x1082  }
0x22: {  	[simem:s7], [sflag:s8] =	dma.local @!p0 [hbm:s6], $0xF7A  }
0x23: {  	s9 =	sor.u32 $0xD0000000, s2;
	s6 =	simm.s32 $0x108;
	_ =	swait.ge @!p0 [sflag:s8], $0x0  }
0x24: {  	s3 =	sadd.s32 $0x88, s3;
	s6 =	simm.s32 @!p1 $0x1082;
	[sflag:s4] =	ssyncset.s32 $0xFFFFF086  }
0x25: {  	[simem:s6], [sflag:s4] =	dma.local [hbm:s3], $0xF7A  }
0x26: {  	[smem:$0x3F9E] =	sst s1;
	(tag) =	ssettag s2;
	_ =	strace s9  }
0x27: {  	s1 =	sld [smem:$0x3FAE]  }
0x28: {  	s2 =	sld [smem:$0x3FAF]  }
0x29: {  	s4 =	sld [smem:$0x3FB1]  }
0x2a: {  	p0 =	seq.s32 s5, $0x0;
	s5 =	sld [smem:$0x3FB2]  }
0x2b: {  	s6 =	sld [smem:$0x3FB3]  }
0x2c: {  	s7 =	sld [smem:$0x3FB4]  }
0x2d: {  	s3 =	simm.s32 $0x108;
	s8 =	sld [smem:$0x3FB5]  }
0x2e: {  	s3 =	simm.s32 @!p0 $0x1082;
	s9 =	sld [smem:$0x3FB6]  }
0x2f: {  	lr =	sadd.s32 s0, s3;
	s0 =	sld [smem:$0x3FAD]  }
0x30: {  	s3 =	sld [smem:$0x3FB0]  }
0x31: {  	[smem:$0x3FB9] =	sst s10  }
0x32: {  	s10 =	sld [smem:$0x3FB7];
	_ =	sdelay $0x3  }
0x33: {  	p0 =	seq.s32 s10, $0x1;
	s10 =	sld [smem:$0x3FB9];
	_ =	sdelay $0x3  }
0x34: {  	[smem:$0x3FB9] =	sst s10  }
0x35: {  	s10 =	sld [smem:$0x3FB8];
	_ =	sdelay $0x3  }
0x36: {  	p1 =	seq.s32 s10, $0x1;
	s10 =	sld [smem:$0x3FB9];
	_ =	sdelay $0x3  }
0x37: {  	[smem:$0x3FB9] =	sst s10  }
0x38: {  	s10 =	sld [smem:$0x3FBA]  }
0x39: {  	_ = 	snop;
	(pc) =	sbr.ind lr, $3  }
0x3a: {  	_ = 	snop  }
0x3b: {  	_ = 	snop  }
0x3c: {  	p2 =	seq.s32 s10, $0x1;
	s10 =	sld [smem:$0x3FB9]  }
0x3d: {  	_ =	shalt  }
0x3e: {  	_ =	shalt  }
0x3f: {  	_ =	shalt  }
0x40: {  	_ =	shalt  }
0x41: {  	_ =	shalt  }
0x42: {  	_ =	shalt  }
0x43: {  	_ =	shalt  }
0x44: {  	_ =	shalt  }
0x45: {  	_ =	shalt  }
0x46: {  	_ =	shalt  }
0x47: {  	_ =	shalt  }
0x48: {  	_ =	shalt  }
0x49: {  	_ =	shalt  }
0x4a: {  	_ =	shalt  }
0x4b: {  	_ =	shalt  }
0x4c: {  	_ =	shalt  }
0x4d: {  	_ =	shalt  }
0x4e: {  	_ =	shalt  }
0x4f: {  	_ =	shalt  }
0x50: {  	_ =	shalt  }
0x51: {  	_ =	shalt  }
0x52: {  	_ =	shalt  }
0x53: {  	_ =	shalt  }
0x54: {  	_ =	shalt  }
0x55: {  	_ =	shalt  }
0x56: {  	_ =	shalt  }
0x57: {  	_ =	shalt  }
0x58: {  	_ =	shalt  }
0x59: {  	_ =	shalt  }
0x5a: {  	_ =	shalt  }
0x5b: {  	_ =	shalt  }
0x5c: {  	_ =	shalt  }
0x5d: {  	_ =	shalt  }
0x5e: {  	_ =	shalt  }
0x5f: {  	_ =	shalt  }
0x60: {  	_ =	shalt  }
0x61: {  	_ =	shalt  }
0x62: {  	_ =	shalt  }
0x63: {  	_ =	shalt  }
0x64: {  	_ =	shalt  }
0x65: {  	_ =	shalt  }
0x66: {  	_ =	shalt  }
0x67: {  	_ =	shalt  }
0x68: {  	_ =	shalt  }
0x69: {  	_ =	shalt  }
0x6a: {  	_ =	shalt  }
0x6b: {  	_ =	shalt  }
0x6c: {  	_ =	shalt  }
0x6d: {  	_ =	shalt  }
0x6e: {  	_ =	shalt  }
0x6f: {  	_ =	shalt  }
0x70: {  	_ =	shalt  }
0x71: {  	_ =	shalt  }
0x72: {  	_ =	shalt  }
0x73: {  	_ =	shalt  }
0x74: {  	_ =	shalt  }
0x75: {  	_ =	shalt  }
0x76: {  	_ =	shalt  }
0x77: {  	_ =	shalt  }
0x78: {  	_ =	shalt  }
0x79: {  	_ =	shalt  }
0x7a: {  	_ =	shalt  }
0x7b: {  	_ =	shalt  }
0x7c: {  	_ =	shalt  }
0x7d: {  	_ =	shalt  }
0x7e: {  	_ =	shalt  }
0x7f: {  	_ =	shalt  }
0x80: {  	_ =	shalt  }
0x81: {  	_ =	shalt  }
0x82: {  	_ =	shalt  }
0x83: {  	_ =	shalt  }
0x84: {  	_ =	shalt  }
0x85: {  	_ =	shalt  }
0x86: {  	_ =	shalt  }
0x87: {  	_ =	shalt  }
.Lfunc_end0:
.L_simem_size_0:
called_computation_lowered:
.L_overlay_start_0:
0x88: {  	s2 =	sld [smem:$0x3FD9]  }
0x89: {  	s3 =	sld [smem:$0x3FFE];
	_ =	sdelay $0x1  }
0x8a: {  	s1 =	srdreg.scid  }
0x8b: {  	s0 =	sand.u32 $0x1, s1  }
0x8c: {  	s17 =	sshll.u32 s0, $0xA;
	s2 =	sadd.s32 s3, s2  }
0x8d: {  	s2 =	sadd.s32 s2, s17  }
0x8e: {  	[smem:$0x3FC5] =	sst s2  }
0x8f: {  	_ = 	snop  }
0x90: {  	s2 =	sld [smem:$0x3FC9];
	(tm) =	ssettm $0x1  }
0x91: {  	s18 =	sld [smem:$0x3FFB];
	_ =	sdelay $0x3  }
0x92: {  	_ =	strace s18  }
0x93: {  	s3 =	sld [smem:$0x3FFC];
	_ =	sdelay $0x3  }
0x94: {  	_ =	strace s3  }
0x95: {  	s3 =	sld [smem:$0x3FFD];
	_ =	sdelay $0x3  }
0x96: {  	_ =	strace s3  }
0x97: {  	_ =	strace $0x8FFFFFFF  }
0x98: {  	s19 =	sld [smem:$0x3FDB];
	_ =	sdelay $0x1  }
0x99: {  	s4 =	simm.s32 $_scs_section_size  }
0x9a: {  	s5 =	simm.s32 $_size__tile_overlayer_lowered;
	s6 =	simm.s32 $_tile_overlayer_lowered  }
0x9b: {  	s22 =	simm.s32 $0x1BFF;
	s21 =	sshll.u32 s6, $0x1;
	s3 =	sadd.s32 s4, s19  }
0x9c: {  	s7 =	simm.s32 $0x0;
	s20 =	sshll.u32 s5, $0x1;
	s5 =	sadd.s32 s21, s3  }
0x9d: {  	[timem:s7], [sflag:s22] =	dma.local [hbm:s5], s20  }
0x9e: {  	_ =	swait.ge [sflag:s22], s20  }
0x9f: {  	s4 =	ssub.s32 $0x0, s20;
	[sflag:s22] =	ssyncset.done $0x0  }
0xa0: {  	[sflag:s22] =	ssyncadd.s32 s4;
	_ =	sdelay $0x1  }
0xa1: {  	s23 =	simm.s32 $0x1B8B  }
0xa2: {  	_ =	swait.ge [sflag:s23], $0x1  }
0xa3: {  	[sflag:s23] =	ssyncset.done $0x0  }
0xa4: {  	s25 =	simm.s32 $0x1B8E;
	s24 =	sld [smem:$0x3FFE];
	[sflag:s23] =	ssyncadd.s32 $0xFFFFFFFF  }
0xa5: {  	s26 =	simm.s32 $execute0_lowered;
	[smem:$0x3FD2] =	sst s25  }
0xa6: {  	s5 =	sshll.u32 s26, $0x1;
	_ =	strace $0x80000046;
	[dreg:$0x1] =	wrdreg $0xFFFFFFFF  }
0xa7: {  	s28 =	simm.s32 $_size_execute0_lowered;
	s3 =	sadd.s32 s3, s5;
	[dreg:$0x0] =	wrdreg $0x0  }
0xa8: {  	s5 =	sshll.u32 s28, $0x1;
	[dreg:$0x2] =	wrdreg s3  }
0xa9: {  	[dreg:$0x3] =	wrdreg s5  }
0xaa: {  	[dreg:$0x4] =	wrdreg $0xC0  }
0xab: {  	_ =	task [dreg:s7], $0x5FFFF  }
0xac: {  	[dreg:$0x1] =	wrdreg $0xFFFFFFFF  }
0xad: {  	[dreg:$0x0] =	wrdreg $0x60  }
0xae: {  	[dreg:$0x2] =	wrdreg s24  }
0xaf: {  	[dreg:$0x3] =	wrdreg s2  }
0xb0: {  	[dreg:$0x4] =	wrdreg $0x9  }
0xb1: {  	_ =	task.clear_ibuf [dreg:s7], $0x5FFFF;
	_ =	strace $0x90000046  }
0xb2: {  	s29 =	simm.s32 $0x9;
	_ =	strace $0x80000048  }
0xb3: {  	_ =	swait.ge [sflag:s29], $0x1  }
0xb4: {  	[sflag:s29] =	ssyncadd.s32 $0xFFFFFFFF  }
0xb5: {  	_ =	strace $0x90000048  }
0xb6: {  	_ =	sfence  }
0xb7: {  	s30 =	sld [smem:$0x0];
	_ =	sdelay $0x2  }
0xb8: {  	s31 =	sshll.u32 s1, $0xD;
	s1 =	sshrl.u32 s1, $0x2  }
0xb9: {  	s3 =	sand.u32 $0x4000, s31;
	s1 =	sadd.s32 s1, s30  }
0xba: {  	s0 =	sor.u32 s3, s0;
	s1 =	sshll.u32 s1, $0x11  }
0xbb: {  	s0 =	sor.u32 s1, s0  }
0xbc: {  	s0 =	sadd.s32 $0x8F2B, s0  }
0xbd: {  	[sflag:s0] =	ssyncadd.remote.s32 $0x1  }
0xbe: {  	_ =	sfence.sel $0xFFFF  }
0xbf: {  	[dreg:$0x0] =	wrdreg $0xFFFFFFFF;
	(pc) =	sbr.abs _section_cstart, $3  }
0xc0: {  	[dreg:$0x1] =	wrdreg $0xFFFFFFFF  }
0xc1: {  	_ =	task.clear_ibuf [dreg:s7], $0x2FFFF;
	_ =	strace $0x9FFFFFFF  }
0xc2: {  	(tm) =	ssettm $0x7FFFFFFF  }
0xc3: {  	_ =	shalt  }
tec
execute0_lowered:
.L_overlay_start_1:
0x0: {  	(tag) =	ssettag $0x1  }
0x1: {  	s1 =	srdreg.scid  }
0x2: {  	s8 =	rddreg [dreg:$0x0];
	s0 =	stileid.u32  }
0x3: {  	s3 =	rddreg [dreg:$0x1];
	s2 =	simm.s32 $0x0;
	s6 =	sand.u32 $0x1, s1  }
0x4: {  	s4 =	sshll.u32 s0, $0x6;
	s1 =	rddreg [dreg:$0x2];
	s5 =	sshll.u32 s6, $0x5  }
0x5: {  	s7 =	simm.s32 $0x1;
	[smem:$0x7FF] =	sst s2;
	s9 =	sor.u32 s5, s4  }
0x6: {  	_ =	strace $0x80000047;
	s10 =	ssub.s32 $0x2, s6;
	s4 =	sshrl.u32 s9, $0x3  }
0x7: {  	s6 =	simm.s32 $0x20;
	s4 =	sadd.s32 s3, s4;
	s3 =	simm.s32 $0x2  }
0x8: {  	[tilespmem:s2], [sflag:$0x2] =	stream.linear.gather [hbm4b:s4+s2], $0x20, $0x38;
	[tilespmem:$0x820] =	vst v63  }
0x9: {  	s5 =	sadd.s32 $0x2000, s8;
	s11 =	sshrl.u32 s10, $0x1;
	_ =	swait.ge [sflag:s3], $0x20  }
0xa: {  	s9 =	sshll.u32 s9, $0x3;
	s31 =	ssub.s32 s10, s11;
	[sflag:s3] =	ssyncset.done $0x0  }
0xb: {  	s8 =	sadd.s32 s9, s8;
	s9 =	smax.u32 s31, $0x1;
	[sflag:s3] =	ssyncadd.s32 $0xFFFFFFE0  }
0xc: {  	[tilespmem:s6], [sflag:$0x1] =	stream.indirect.gather [hbm4b:s5+s6], $0x40, s2, s6, $0xb8;
	[tilespmem:$0x820] =	vst v63  }
0xd: {  	p0 =	sne.s32 s9, $0x1;
	_ =	swait.ge [sflag:s7], $0x800  }
.Ltmp0:
0xe: {  	[sflag:s7] =	ssyncset.done $0x0;
	(pc) =	sbr.rel @!p0 .LBB2_2-.Ltmp0, $4  }
0xf: {  	s8 =	sadd.s32 $0xC5600, s8;
	[sflag:s7] =	ssyncadd.s32 $0xFFFFF800  }
0x10: {  	[hbm4b:s8+s2] =	stream.linear.scatter [tilespmem:s6], [sflag:$0x2], $0x800, $0x38;
	[tilespmem:$0x820] =	vst v63  }
0x11: {  	_ =	swait.ge [sflag:s3], $0x800  }
0x12: {  	s9 =	sadd.s32 $0xFFFFFFFF, s9;
	[sflag:s3] =	ssyncset.done $0x0  }
.LBB2_1:
0x13: {  	p0 =	sne.s32 s9, $0x1;
	s9 =	sadd.s32 $0xFFFFFFFF, s9;
	[sflag:s3] =	ssyncadd.s32 $0xFFFFF800  }
0x14: {  	[tilespmem:s2], [sflag:$0x2] =	stream.linear.gather [hbm4b:s4+s2], $0x20, $0x38;
	[tilespmem:$0x820] =	vst v63  }
0x15: {  	_ =	swait.ge [sflag:s3], $0x20  }
0x16: {  	[sflag:s3] =	ssyncset.done $0x0  }
0x17: {  	[sflag:s3] =	ssyncadd.s32 $0xFFFFFFE0  }
0x18: {  	[tilespmem:s6], [sflag:$0x1] =	stream.indirect.gather [hbm4b:s5+s6], $0x40, s2, s6, $0xb8;
	[tilespmem:$0x820] =	vst v63  }
0x19: {  	_ =	swait.ge [sflag:s7], $0x800  }
.Ltmp1:
0x1a: {  	[sflag:s7] =	ssyncset.done $0x0;
	(pc) =	sbr.rel @p0 .LBB2_1-.Ltmp1, $4  }
0x1b: {  	[sflag:s7] =	ssyncadd.s32 $0xFFFFF800  }
0x1c: {  	[hbm4b:s8+s2] =	stream.linear.scatter [tilespmem:s6], [sflag:$0x2], $0x800, $0x38;
	[tilespmem:$0x820] =	vst v63  }
0x1d: {  	_ =	swait.ge [sflag:s3], $0x800  }
0x1e: {  	[sflag:s3] =	ssyncset.done $0x0  }
.LBB2_2:
0x1f: {  	[sflag:s3] =	ssyncadd.s32 $0xFFFFF800  }
0x20: {  	_ =	sfence.sel $0x180000  }
0x21: {  	[bflag:$0x0] =	sbarrier.arrive $0xFFFF  }
0x22: {  	p0 =	sne.s32 s0, $0x0;
	_ =	strace $0x90000047  }
0x23: {  	s0 =	sadd.s32 @!p0 $0x100000, s1;
	[bflag:$0x2] =	sbarrier.arrive $0xFFFF  }
0x24: {  	[sflag:s0] =	ssyncadd.tile.s32 @!p0 $0x1;
	_ =	shalt  }
.Lfunc_end2:
_tile_overlayer_lowered:
.L_overlay_start_2:
0x25: {  	(tag) =	ssettag $0x2  }
0x26: {  	s0 =	rddreg [dreg:$0x0];
	s2 =	stileid.u32  }
0x27: {  	s1 =	rddreg [dreg:$0x1];
	p0 =	sne.s32 s2, $0x0  }
0x28: {  	s3 =	rddreg [dreg:$0x2];
	[bflag:$0x3] =	sbarrier.arrive $0xFFFF;
	s2 =	simm.s32 @!p0 $0x1C02  }
0x29: {  	[timem:s3], [sflag:s2] =	dma.local @!p0 [hbm:s0], s1  }
0x2a: {  	s0 =	simm.s32 @!p0 $0x2  }
0x2b: {  	_ =	swait.ge @!p0 [sflag:s0], s1  }
0x2c: {  	s1 =	ssub.s32 @!p0 $0x0, s1;
	[sflag:s0] =	ssyncset.done @!p0 $0x0  }
0x2d: {  	[sflag:s0] =	ssyncadd.s32 @!p0 s1  }
0x2e: {  	[bflag:$0x3] =	sbarrier.arrive $0xFFFF  }
0x2f: {  	_ =	shalt  }

</sc_bundles>
